<compile_context>
chip_gen: v7x
topology: tpu7x:2x2x1
jax: 0.10.2.dev20260603
libtpu: 0.0.44.dev20260713+nightly
codegen_flags: <defaults>
</compile_context>

<pallas_src>
import functools

import jax
import jax.numpy as jnp
from jax import lax
from jax.experimental import pallas as pl
from jax.experimental.pallas import tpu as pltpu
from jax.experimental.pallas import tpu_sc as plsc

EMB = 64
S = 4
LOG2S = 2


@functools.lru_cache(maxsize=None)
def _build_sc_kernel(B, NU, NI, C, NW):
    RPW = B // NW
    NCHUNKS = RPW // C
    NB = C // S
    assert B == RPW * NW and RPW == NCHUNKS * C and C == NB * S
    assert NCHUNKS >= 2 and C % 16 == 0

    mesh = plsc.VectorSubcoreMesh(core_axis_name="c", subcore_axis_name="s")

    @functools.partial(
        pl.kernel,
        mesh=mesh,
        compiler_params=pltpu.CompilerParams(
            use_tc_tiling_on_sc=False, needs_layout_passes=False),
        out_type=jax.ShapeDtypeStruct((B, EMB), jnp.float32),
        scratch_types=[
            pltpu.VMEM((C,), jnp.int32),
            pltpu.VMEM((NB, S), jnp.int32),
            pltpu.VMEM((NB, S), jnp.int32),
            pltpu.VMEM((NB, S), jnp.int32),
            pltpu.VMEM((NB, S), jnp.int32),
            pltpu.VMEM((NB, S), jnp.int32),
            pltpu.VMEM((C, EMB), jnp.float32),
            pltpu.VMEM((C, EMB), jnp.float32),
            pltpu.VMEM((S, EMB), jnp.float32),
            pltpu.VMEM((1, EMB), jnp.float32),
            pltpu.SemaphoreType.DMA,
            pltpu.SemaphoreType.DMA,
        ],
    )
    def k(ids_hbm, user_hbm, item_hbm, out_hbm,
          ids_v, ulist, udst, ilist, idst, pdst, bufU, bufI, zbuf, tmp,
          gsem, ssem):
        wid = lax.axis_index("s") * 2 + lax.axis_index("c")
        tile_base = wid * RPW

        zeros16f = jnp.zeros((16,), jnp.float32)
        for r in range(S):
            for q in range(EMB // 16):
                zbuf[r, pl.ds(q * 16, 16)] = zeros16f

        iota16 = lax.broadcasted_iota(jnp.int32, (16,), 0)

        def chunk_body(c, carry):
            base = tile_base + c * C
            tt = jnp.where(c == NCHUNKS - 1, tile_base, base + C)

            pltpu.sync_copy(ids_hbm.at[pl.ds(base, C)], ids_v)

            def grp(g, cnts):
                nu, ni, npd = cnts
                v = ids_v[pl.ds(g * 16, 16)]
                gdst = base + g * 16 + iota16
                mu = (v >= 1) & (v <= NU)
                mi = v > NU
                mp = v == 0
                mu_i = mu.astype(jnp.int32)
                mi_i = mi.astype(jnp.int32)
                mp_i = mp.astype(jnp.int32)
                pu = jnp.maximum(nu + plsc.cumsum(mu_i) - 1, 0)
                pi = jnp.maximum(ni + plsc.cumsum(mi_i) - 1, 0)
                pp = jnp.maximum(npd + plsc.cumsum(mp_i) - 1, 0)
                uidx = jnp.minimum(v - 1, NU - 1)
                iidx = jnp.minimum(v - NU - 1, NI - 1)
                plsc.store_scatter(ulist, [pu >> LOG2S, pu & (S - 1)], uidx, mask=mu)
                plsc.store_scatter(udst, [pu >> LOG2S, pu & (S - 1)], gdst, mask=mu)
                plsc.store_scatter(ilist, [pi >> LOG2S, pi & (S - 1)], iidx, mask=mi)
                plsc.store_scatter(idst, [pi >> LOG2S, pi & (S - 1)], gdst, mask=mi)
                plsc.store_scatter(pdst, [pp >> LOG2S, pp & (S - 1)], gdst, mask=mp)
                return (nu + jnp.sum(mu_i), ni + jnp.sum(mi_i), npd + jnp.sum(mp_i))

            z = jnp.int32(0)
            nu, ni, npd = lax.fori_loop(0, C // 16, grp, (z, z, z))

            def tail_fill(n, list_ref, dst_ref):
                tl = (S - (n & (S - 1))) & (S - 1)
                for h in range((S + 15) // 16):
                    off = h * 16 + iota16
                    m = off < tl
                    pos = jnp.minimum(n + off, C - 1)
                    rc = [pos >> LOG2S, pos & (S - 1)]
                    if list_ref is not None:
                        plsc.store_scatter(list_ref, rc, jnp.zeros((16,), jnp.int32), mask=m)
                    plsc.store_scatter(dst_ref, rc, jnp.broadcast_to(tt, (16,)), mask=m)

            tail_fill(nu, ulist, udst)
            tail_fill(ni, ilist, idst)
            tail_fill(npd, None, pdst)

            nbu = (nu + S - 1) >> LOG2S
            nbi = (ni + S - 1) >> LOG2S
            nbp = (npd + S - 1) >> LOG2S

            def g_u(kb, x):
                pltpu.make_async_copy(user_hbm.at[ulist.at[kb]], bufU.at[pl.ds(kb * S, S)], gsem).start()
                return x

            def g_i(kb, x):
                pltpu.make_async_copy(item_hbm.at[ilist.at[kb]], bufI.at[pl.ds(kb * S, S)], gsem).start()
                return x

            def gw_u(kb, x):
                pltpu.make_async_copy(user_hbm.at[ulist.at[kb]], bufU.at[pl.ds(kb * S, S)], gsem).wait()
                return x

            def gw_i(kb, x):
                pltpu.make_async_copy(item_hbm.at[ilist.at[kb]], bufI.at[pl.ds(kb * S, S)], gsem).wait()
                return x

            lax.fori_loop(0, nbu, g_u, 0)
            lax.fori_loop(0, nbi, g_i, 0)
            lax.fori_loop(0, nbu, gw_u, 0)
            lax.fori_loop(0, nbi, gw_i, 0)

            def s_u(kb, x):
                pltpu.make_async_copy(bufU.at[pl.ds(kb * S, S)], out_hbm.at[udst.at[kb]], ssem).start()
                return x

            def s_i(kb, x):
                pltpu.make_async_copy(bufI.at[pl.ds(kb * S, S)], out_hbm.at[idst.at[kb]], ssem).start()
                return x

            def s_p(kb, x):
                pltpu.make_async_copy(zbuf, out_hbm.at[pdst.at[kb]], ssem).start()
                return x

            def sw_u(kb, x):
                pltpu.make_async_copy(bufU.at[pl.ds(kb * S, S)], out_hbm.at[udst.at[kb]], ssem).wait()
                return x

            def sw_i(kb, x):
                pltpu.make_async_copy(bufI.at[pl.ds(kb * S, S)], out_hbm.at[idst.at[kb]], ssem).wait()
                return x

            def sw_p(kb, x):
                pltpu.make_async_copy(zbuf, out_hbm.at[pdst.at[kb]], ssem).wait()
                return x

            lax.fori_loop(0, nbu, s_u, 0)
            lax.fori_loop(0, nbi, s_i, 0)
            lax.fori_loop(0, nbp, s_p, 0)
            lax.fori_loop(0, nbu, sw_u, 0)
            lax.fori_loop(0, nbi, sw_i, 0)
            lax.fori_loop(0, nbp, sw_p, 0)
            return carry

        lax.fori_loop(0, NCHUNKS, chunk_body, 0)

        pltpu.sync_copy(ids_hbm.at[pl.ds(tile_base, 16)], ids_v.at[pl.ds(0, 16)])
        id0 = ids_v[pl.ds(0, 16)][0]

        @pl.when(id0 == 0)
        def _():
            pltpu.sync_copy(zbuf.at[pl.ds(0, 1)], out_hbm.at[pl.ds(tile_base, 1)])

        @pl.when((id0 >= 1) & (id0 <= NU))
        def _():
            pltpu.sync_copy(user_hbm.at[pl.ds(id0 - 1, 1)], tmp)
            pltpu.sync_copy(tmp, out_hbm.at[pl.ds(tile_base, 1)])

        @pl.when(id0 > NU)
        def _():
            pltpu.sync_copy(item_hbm.at[pl.ds(id0 - NU - 1, 1)], tmp)
            pltpu.sync_copy(tmp, out_hbm.at[pl.ds(tile_base, 1)])

    return k


def kernel(node_ids, user_table, item_table):
    nb, nn = node_ids.shape
    B = nb * nn
    ids = node_ids.reshape(B).astype(jnp.int32)
    NU = int(user_table.shape[0])
    NI = int(item_table.shape[0])
    k = _build_sc_kernel(B, NU, NI, C=800, NW=32)
    out = k(ids, user_table.astype(jnp.float32), item_table.astype(jnp.float32))
    return out.reshape(nb, nn, EMB)

# --- scband reference (transcript-rebuilt; emitter-appended) ---
"""Pipeline reference for scband-hybrid-node-features-10213432230049 (READ-ONLY COPY).

The authoritative reference and input builder live on the scoring server;
editing this copy changes nothing except your own understanding.
"""

import jax, jax.numpy as jnp
import numpy as np

NUM_USERS = 500000
NUM_ITEMS = 500000
EMB_DIM = 64

def setup_inputs(seed: int = 0) -> dict:
    key = jax.random.key(seed)
    k1, k2, k3 = jax.random.split(key, 3)
    node_ids = jax.random.randint(k1, (16384, 50), 0, NUM_USERS + NUM_ITEMS + 1, dtype=jnp.int64 if jax.config.jax_enable_x64 else jnp.int32)
    # xavier_uniform bound for [N, D] embedding: sqrt(6/(N+D))
    bu = float(np.sqrt(6.0 / (NUM_USERS + EMB_DIM)))
    bi = float(np.sqrt(6.0 / (NUM_ITEMS + EMB_DIM)))
    user_table = jax.random.uniform(k2, (NUM_USERS, EMB_DIM), minval=-bu, maxval=bu, dtype=jnp.float32)
    item_table = jax.random.uniform(k3, (NUM_ITEMS, EMB_DIM), minval=-bi, maxval=bi, dtype=jnp.float32)
    return {"node_ids": node_ids, "user_table": user_table, "item_table": item_table}

def reference(node_ids, user_table, item_table):
    # HybridNodeFeatures.forward with use_random_items=True (eval mode, dropout off):
    # index 0 -> zero padding vector; [1, num_users] -> user embedding;
    # [num_users+1, num_users+num_items] -> item embedding.
    is_pad = (node_ids == 0)
    is_user = (node_ids >= 1) & (node_ids <= NUM_USERS)
    user_idx = jnp.clip(node_ids - 1, 0, NUM_USERS - 1)
    item_idx = jnp.clip(node_ids - NUM_USERS - 1, 0, NUM_ITEMS - 1)
    user_emb = jnp.take(user_table, user_idx, axis=0)
    item_emb = jnp.take(item_table, item_idx, axis=0)
    out = jnp.where(is_user[..., None], user_emb, item_emb)
    out = jnp.where(is_pad[..., None], jnp.zeros((), dtype=out.dtype), out)
    return out

if __name__ == "__main__":
    import jax
    _d = setup_inputs()
    print(jax.jit(kernel)(*tuple(_d.values())))

</pallas_src>

<mosaic_0001>
#map = affine_map<(d0, d1) -> (0)>
#map1 = affine_map<(d0, d1) -> (0, 0)>
module attributes {stable_mosaic.version = 14 : i64} {
  func.func @k(%arg0: i32, %arg1: i32, %arg2: memref<819200xi32, #tpu.memory_space<hbm>>, %arg3: memref<500000x64xf32, #tpu.memory_space<hbm>>, %arg4: memref<500000x64xf32, #tpu.memory_space<hbm>>, %arg5: memref<819200x64xf32, #tpu.memory_space<hbm>>, %arg6: memref<800xi32, #tpu.memory_space<vmem>>, %arg7: memref<200x4xi32, #tpu.memory_space<vmem>>, %arg8: memref<200x4xi32, #tpu.memory_space<vmem>>, %arg9: memref<200x4xi32, #tpu.memory_space<vmem>>, %arg10: memref<200x4xi32, #tpu.memory_space<vmem>>, %arg11: memref<200x4xi32, #tpu.memory_space<vmem>>, %arg12: memref<800x64xf32, #tpu.memory_space<vmem>>, %arg13: memref<800x64xf32, #tpu.memory_space<vmem>>, %arg14: memref<4x64xf32, #tpu.memory_space<vmem>>, %arg15: memref<1x64xf32, #tpu.memory_space<vmem>>, %arg16: memref<!tpu.dma_semaphore, #tpu.memory_space<semaphore_mem>>, %arg17: memref<!tpu.dma_semaphore, #tpu.memory_space<semaphore_mem>>) attributes {dimension_semantics = [#tpu.dimension_semantics<core_parallel>, #tpu.dimension_semantics<subcore_parallel>], iteration_bounds = array<i64: 2, 16>, scalar_prefetch = 0 : i64, scratch_operands = 12 : i64, tpu.core_type = #tpu.core_type<sc_vector_subcore>, window_params = [{transform_indices = #map}, {transform_indices = #map1}, {transform_indices = #map1}, {transform_indices = #map1}]} {
    %mul3A = arith.constant 2 : i32
    %mul3A_0 = arith.muli %arg1, %mul3A : i32
    %add3A = arith.addi %mul3A_0, %arg0 : i32
    %mul3A_1 = arith.constant 25600 : i32
    %mul3A_2 = arith.muli %add3A, %mul3A_1 : i32
    %broadcast_in_dim3A = arith.constant 0.000000e+00 : f32
    %broadcast_in_dim3A_3 = vector.broadcast %broadcast_in_dim3A : f32 to vector<16xf32>
    %swap3A = arith.constant 0 : i32
    %swap3A_4 = arith.index_cast %swap3A : i32 to index
    %swap3A_5 = arith.constant 0 : index
    %swap3A_6 = tpu.vector_load %arg14[%swap3A_4, %swap3A_5] {strides = array<i32>} : memref<4x64xf32, #tpu.memory_space<vmem>>, vector<16xf32>,
    tpu.vector_store %arg14[%swap3A_4, %swap3A_5], %broadcast_in_dim3A_3 {strides = array<i32>} : memref<4x64xf32, #tpu.memory_space<vmem>>, vector<16xf32>,
    %swap3A_7 = arith.constant 0 : i32
    %swap3A_8 = arith.index_cast %swap3A_7 : i32 to index
    %swap3A_9 = arith.constant 16 : index
    %swap3A_10 = tpu.vector_load %arg14[%swap3A_8, %swap3A_9] {strides = array<i32>} : memref<4x64xf32, #tpu.memory_space<vmem>>, vector<16xf32>,
    tpu.vector_store %arg14[%swap3A_8, %swap3A_9], %broadcast_in_dim3A_3 {strides = array<i32>} : memref<4x64xf32, #tpu.memory_space<vmem>>, vector<16xf32>,
    %swap3A_11 = arith.constant 0 : i32
    %swap3A_12 = arith.index_cast %swap3A_11 : i32 to index
    %swap3A_13 = arith.constant 32 : index
    %swap3A_14 = tpu.vector_load %arg14[%swap3A_12, %swap3A_13] {strides = array<i32>} : memref<4x64xf32, #tpu.memory_space<vmem>>, vector<16xf32>,
    tpu.vector_store %arg14[%swap3A_12, %swap3A_13], %broadcast_in_dim3A_3 {strides = array<i32>} : memref<4x64xf32, #tpu.memory_space<vmem>>, vector<16xf32>,
    %swap3A_15 = arith.constant 0 : i32
    %swap3A_16 = arith.index_cast %swap3A_15 : i32 to index
    %swap3A_17 = arith.constant 48 : index
    %swap3A_18 = tpu.vector_load %arg14[%swap3A_16, %swap3A_17] {strides = array<i32>} : memref<4x64xf32, #tpu.memory_space<vmem>>, vector<16xf32>,
    tpu.vector_store %arg14[%swap3A_16, %swap3A_17], %broadcast_in_dim3A_3 {strides = array<i32>} : memref<4x64xf32, #tpu.memory_space<vmem>>, vector<16xf32>,
    %swap3A_19 = arith.constant 1 : i32
    %swap3A_20 = arith.index_cast %swap3A_19 : i32 to index
    %swap3A_21 = arith.constant 0 : index
    %swap3A_22 = tpu.vector_load %arg14[%swap3A_20, %swap3A_21] {strides = array<i32>} : memref<4x64xf32, #tpu.memory_space<vmem>>, vector<16xf32>,
    tpu.vector_store %arg14[%swap3A_20, %swap3A_21], %broadcast_in_dim3A_3 {strides = array<i32>} : memref<4x64xf32, #tpu.memory_space<vmem>>, vector<16xf32>,
    %swap3A_23 = arith.constant 1 : i32
    %swap3A_24 = arith.index_cast %swap3A_23 : i32 to index
    %swap3A_25 = arith.constant 16 : index
    %swap3A_26 = tpu.vector_load %arg14[%swap3A_24, %swap3A_25] {strides = array<i32>} : memref<4x64xf32, #tpu.memory_space<vmem>>, vector<16xf32>,
    tpu.vector_store %arg14[%swap3A_24, %swap3A_25], %broadcast_in_dim3A_3 {strides = array<i32>} : memref<4x64xf32, #tpu.memory_space<vmem>>, vector<16xf32>,
    %swap3A_27 = arith.constant 1 : i32
    %swap3A_28 = arith.index_cast %swap3A_27 : i32 to index
    %swap3A_29 = arith.constant 32 : index
    %swap3A_30 = tpu.vector_load %arg14[%swap3A_28, %swap3A_29] {strides = array<i32>} : memref<4x64xf32, #tpu.memory_space<vmem>>, vector<16xf32>,
    tpu.vector_store %arg14[%swap3A_28, %swap3A_29], %broadcast_in_dim3A_3 {strides = array<i32>} : memref<4x64xf32, #tpu.memory_space<vmem>>, vector<16xf32>,
    %swap3A_31 = arith.constant 1 : i32
    %swap3A_32 = arith.index_cast %swap3A_31 : i32 to index
    %swap3A_33 = arith.constant 48 : index
    %swap3A_34 = tpu.vector_load %arg14[%swap3A_32, %swap3A_33] {strides = array<i32>} : memref<4x64xf32, #tpu.memory_space<vmem>>, vector<16xf32>,
    tpu.vector_store %arg14[%swap3A_32, %swap3A_33], %broadcast_in_dim3A_3 {strides = array<i32>} : memref<4x64xf32, #tpu.memory_space<vmem>>, vector<16xf32>,
    %swap3A_35 = arith.constant 2 : i32
    %swap3A_36 = arith.index_cast %swap3A_35 : i32 to index
    %swap3A_37 = arith.constant 0 : index
    %swap3A_38 = tpu.vector_load %arg14[%swap3A_36, %swap3A_37] {strides = array<i32>} : memref<4x64xf32, #tpu.memory_space<vmem>>, vector<16xf32>,
    tpu.vector_store %arg14[%swap3A_36, %swap3A_37], %broadcast_in_dim3A_3 {strides = array<i32>} : memref<4x64xf32, #tpu.memory_space<vmem>>, vector<16xf32>,
    %swap3A_39 = arith.constant 2 : i32
    %swap3A_40 = arith.index_cast %swap3A_39 : i32 to index
    %swap3A_41 = arith.constant 16 : index
    %swap3A_42 = tpu.vector_load %arg14[%swap3A_40, %swap3A_41] {strides = array<i32>} : memref<4x64xf32, #tpu.memory_space<vmem>>, vector<16xf32>,
    tpu.vector_store %arg14[%swap3A_40, %swap3A_41], %broadcast_in_dim3A_3 {strides = array<i32>} : memref<4x64xf32, #tpu.memory_space<vmem>>, vector<16xf32>,
    %swap3A_43 = arith.constant 2 : i32
    %swap3A_44 = arith.index_cast %swap3A_43 : i32 to index
    %swap3A_45 = arith.constant 32 : index
    %swap3A_46 = tpu.vector_load %arg14[%swap3A_44, %swap3A_45] {strides = array<i32>} : memref<4x64xf32, #tpu.memory_space<vmem>>, vector<16xf32>,
    tpu.vector_store %arg14[%swap3A_44, %swap3A_45], %broadcast_in_dim3A_3 {strides = array<i32>} : memref<4x64xf32, #tpu.memory_space<vmem>>, vector<16xf32>,
    %swap3A_47 = arith.constant 2 : i32
    %swap3A_48 = arith.index_cast %swap3A_47 : i32 to index
    %swap3A_49 = arith.constant 48 : index
    %swap3A_50 = tpu.vector_load %arg14[%swap3A_48, %swap3A_49] {strides = array<i32>} : memref<4x64xf32, #tpu.memory_space<vmem>>, vector<16xf32>,
    tpu.vector_store %arg14[%swap3A_48, %swap3A_49], %broadcast_in_dim3A_3 {strides = array<i32>} : memref<4x64xf32, #tpu.memory_space<vmem>>, vector<16xf32>,
    %swap3A_51 = arith.constant 3 : i32
    %swap3A_52 = arith.index_cast %swap3A_51 : i32 to index
    %swap3A_53 = arith.constant 0 : index
    %swap3A_54 = tpu.vector_load %arg14[%swap3A_52, %swap3A_53] {strides = array<i32>} : memref<4x64xf32, #tpu.memory_space<vmem>>, vector<16xf32>,
    tpu.vector_store %arg14[%swap3A_52, %swap3A_53], %broadcast_in_dim3A_3 {strides = array<i32>} : memref<4x64xf32, #tpu.memory_space<vmem>>, vector<16xf32>,
    %swap3A_55 = arith.constant 3 : i32
    %swap3A_56 = arith.index_cast %swap3A_55 : i32 to index
    %swap3A_57 = arith.constant 16 : index
    %swap3A_58 = tpu.vector_load %arg14[%swap3A_56, %swap3A_57] {strides = array<i32>} : memref<4x64xf32, #tpu.memory_space<vmem>>, vector<16xf32>,
    tpu.vector_store %arg14[%swap3A_56, %swap3A_57], %broadcast_in_dim3A_3 {strides = array<i32>} : memref<4x64xf32, #tpu.memory_space<vmem>>, vector<16xf32>,
    %swap3A_59 = arith.constant 3 : i32
    %swap3A_60 = arith.index_cast %swap3A_59 : i32 to index
    %swap3A_61 = arith.constant 32 : index
    %swap3A_62 = tpu.vector_load %arg14[%swap3A_60, %swap3A_61] {strides = array<i32>} : memref<4x64xf32, #tpu.memory_space<vmem>>, vector<16xf32>,
    tpu.vector_store %arg14[%swap3A_60, %swap3A_61], %broadcast_in_dim3A_3 {strides = array<i32>} : memref<4x64xf32, #tpu.memory_space<vmem>>, vector<16xf32>,
    %swap3A_63 = arith.constant 3 : i32
    %swap3A_64 = arith.index_cast %swap3A_63 : i32 to index
    %swap3A_65 = arith.constant 48 : index
    %swap3A_66 = tpu.vector_load %arg14[%swap3A_64, %swap3A_65] {strides = array<i32>} : memref<4x64xf32, #tpu.memory_space<vmem>>, vector<16xf32>,
    tpu.vector_store %arg14[%swap3A_64, %swap3A_65], %broadcast_in_dim3A_3 {strides = array<i32>} : memref<4x64xf32, #tpu.memory_space<vmem>>, vector<16xf32>,
    %iota3A = tpu.iota {dimensions = array<i32: 0>} : vector<16xi32>
    %scan3A = arith.constant 0 : i32
    %scan3A_67 = arith.constant 0 : i32
    %scan3A_68 = arith.constant 32 : i32
    %scan3A_69 = arith.addi %scan3A_67, %scan3A_68 : i32
    %scan3A_70 = arith.constant 1 : i32
    scf.for %scan3A_84 = %scan3A_67 to %scan3A_69 step %scan3A_70  : i32 {
      %mul3A_85 = arith.constant 800 : i32
      %mul3A_86 = arith.muli %scan3A_84, %mul3A_85 : i32
      %add3A_87 = arith.addi %mul3A_2, %mul3A_86 : i32
      %eq3A_88 = arith.constant 31 : i32
      %eq3A_89 = arith.cmpi eq, %scan3A_84, %eq3A_88 : i32
      %add3A_90 = arith.constant 800 : i32
      %add3A_91 = arith.addi %add3A_87, %add3A_90 : i32
      %select_n3A = arith.select %eq3A_89, %mul3A_2, %add3A_91 : i32
      "tpu.region"() ({
        %run_scoped3A = tpu.sem_alloc : memref<!tpu.dma_semaphore, #tpu.memory_space<semaphore_mem>>
        %dma_start3A = tpu.memref_slice %arg2[%add3A_87] : memref<819200xi32, #tpu.memory_space<hbm>> -> memref<800xi32, #tpu.memory_space<hbm>>
        %dma_start3A_287 = tpu.memref_slice %arg2[%add3A_87] : memref<819200xi32, #tpu.memory_space<hbm>> -> memref<800xi32, #tpu.memory_space<hbm>>
        tpu.enqueue_dma source(%dma_start3A_287 : memref<800xi32, #tpu.memory_space<hbm>>) target(%arg6 : memref<800xi32, #tpu.memory_space<vmem>>) target_semaphore(%run_scoped3A : memref<!tpu.dma_semaphore, #tpu.memory_space<semaphore_mem>>)
        %dma_wait3A = tpu.memref_slice %arg2[%add3A_87] : memref<819200xi32, #tpu.memory_space<hbm>> -> memref<800xi32, #tpu.memory_space<hbm>>
        %dma_wait3A_288 = tpu.memref_slice %arg2[%add3A_87] : memref<819200xi32, #tpu.memory_space<hbm>> -> memref<800xi32, #tpu.memory_space<hbm>>
        tpu.wait_dma2 semaphore(%run_scoped3A : memref<!tpu.dma_semaphore, #tpu.memory_space<semaphore_mem>>) src(%dma_wait3A_288 : memref<800xi32, #tpu.memory_space<hbm>>) dst(%arg6 : memref<800xi32, #tpu.memory_space<vmem>>)
        tpu.yield
      }) : () -> ()
      %scan3A_92 = arith.constant 0 : i32
      %scan3A_93 = arith.constant 0 : i32
      %scan3A_94 = arith.constant 0 : i32
      %scan3A_95 = arith.constant 0 : i32
      %scan3A_96 = arith.constant 50 : i32
      %scan3A_97 = arith.addi %scan3A_95, %scan3A_96 : i32
      %scan3A_98 = arith.constant 1 : i32
      %scan3A_99:3 = scf.for %scan3A_287 = %scan3A_95 to %scan3A_97 step %scan3A_98 iter_args(%scan3A_288 = %scan3A_92, %scan3A_289 = %scan3A_93, %scan3A_290 = %scan3A_94) -> (i32, i32, i32)  : i32 {
        %mul3A_291 = arith.constant 16 : i32
        %mul3A_292 = arith.muli %scan3A_287, %mul3A_291 : i32
        %get3A_293 = arith.index_cast %mul3A_292 : i32 to index
        %get3A_294 = tpu.vector_load %arg6[%get3A_293] {strides = array<i32>} : memref<800xi32, #tpu.memory_space<vmem>>, vector<16xi32>,
        %mul3A_295 = arith.constant 16 : i32
        %mul3A_296 = arith.muli %scan3A_287, %mul3A_295 : i32
        %add3A_297 = arith.addi %add3A_87, %mul3A_296 : i32
        %add3A_298 = vector.broadcast %add3A_297 : i32 to vector<16xi32>
        %add3A_299 = arith.addi %add3A_298, %iota3A : vector<16xi32>
        %ge3A_300 = arith.constant 1 : i32
        %ge3A_301 = vector.broadcast %ge3A_300 : i32 to vector<16xi32>
        %ge3A_302 = arith.cmpi sge, %get3A_294, %ge3A_301 : vector<16xi32>
        %le3A_303 = arith.constant 500000 : i32
        %le3A_304 = vector.broadcast %le3A_303 : i32 to vector<16xi32>
        %le3A_305 = arith.cmpi sle, %get3A_294, %le3A_304 : vector<16xi32>
        %and3A_306 = arith.andi %ge3A_302, %le3A_305 : vector<16xi1>
        %gt3A_307 = arith.constant 500000 : i32
        %gt3A_308 = vector.broadcast %gt3A_307 : i32 to vector<16xi32>
        %gt3A_309 = arith.cmpi sgt, %get3A_294, %gt3A_308 : vector<16xi32>
        %eq3A_310 = arith.constant 0 : i32
        %eq3A_311 = vector.broadcast %eq3A_310 : i32 to vector<16xi32>
        %eq3A_312 = arith.cmpi eq, %get3A_294, %eq3A_311 : vector<16xi32>
        %convert_element_type3A_313 = arith.extui %and3A_306 : vector<16xi1> to vector<16xi32>
        %convert_element_type3A_314 = arith.extui %gt3A_309 : vector<16xi1> to vector<16xi32>
        %convert_element_type3A_315 = arith.extui %eq3A_312 : vector<16xi1> to vector<16xi32>
        %broadcast_in_dim3A_316 = arith.constant true
        %broadcast_in_dim3A_317 = vector.broadcast %broadcast_in_dim3A_316 : i1 to vector<16xi1>
        %masked_cumsum3A = tpu.scan <sum>, %convert_element_type3A_313 masked %broadcast_in_dim3A_317 : vector<16xi32>, vector<16xi1> -> vector<16xi32>
        %add3A_318 = vector.broadcast %scan3A_288 : i32 to vector<16xi32>
        %add3A_319 = arith.addi %add3A_318, %masked_cumsum3A : vector<16xi32>
        %sub3A_320 = arith.constant 1 : i32
        %sub3A_321 = vector.broadcast %sub3A_320 : i32 to vector<16xi32>
        %sub3A_322 = arith.subi %add3A_319, %sub3A_321 : vector<16xi32>
        %max3A = arith.constant 0 : i32
        %max3A_323 = vector.broadcast %max3A : i32 to vector<16xi32>
        %max3A_324 = arith.maxsi %sub3A_322, %max3A_323 : vector<16xi32>
        %broadcast_in_dim3A_325 = arith.constant true
        %broadcast_in_dim3A_326 = vector.broadcast %broadcast_in_dim3A_325 : i1 to vector<16xi1>
        %masked_cumsum3A_327 = tpu.scan <sum>, %convert_element_type3A_314 masked %broadcast_in_dim3A_326 : vector<16xi32>, vector<16xi1> -> vector<16xi32>
        %add3A_328 = vector.broadcast %scan3A_289 : i32 to vector<16xi32>
        %add3A_329 = arith.addi %add3A_328, %masked_cumsum3A_327 : vector<16xi32>
        %sub3A_330 = arith.constant 1 : i32
        %sub3A_331 = vector.broadcast %sub3A_330 : i32 to vector<16xi32>
        %sub3A_332 = arith.subi %add3A_329, %sub3A_331 : vector<16xi32>
        %max3A_333 = arith.constant 0 : i32
        %max3A_334 = vector.broadcast %max3A_333 : i32 to vector<16xi32>
        %max3A_335 = arith.maxsi %sub3A_332, %max3A_334 : vector<16xi32>
        %broadcast_in_dim3A_336 = arith.constant true
        %broadcast_in_dim3A_337 = vector.broadcast %broadcast_in_dim3A_336 : i1 to vector<16xi1>
        %masked_cumsum3A_338 = tpu.scan <sum>, %convert_element_type3A_315 masked %broadcast_in_dim3A_337 : vector<16xi32>, vector<16xi1> -> vector<16xi32>
        %add3A_339 = vector.broadcast %scan3A_290 : i32 to vector<16xi32>
        %add3A_340 = arith.addi %add3A_339, %masked_cumsum3A_338 : vector<16xi32>
        %sub3A_341 = arith.constant 1 : i32
        %sub3A_342 = vector.broadcast %sub3A_341 : i32 to vector<16xi32>
        %sub3A_343 = arith.subi %add3A_340, %sub3A_342 : vector<16xi32>
        %max3A_344 = arith.constant 0 : i32
        %max3A_345 = vector.broadcast %max3A_344 : i32 to vector<16xi32>
        %max3A_346 = arith.maxsi %sub3A_343, %max3A_345 : vector<16xi32>
        %sub3A_347 = arith.constant 1 : i32
        %sub3A_348 = vector.broadcast %sub3A_347 : i32 to vector<16xi32>
        %sub3A_349 = arith.subi %get3A_294, %sub3A_348 : vector<16xi32>
        %min3A_350 = arith.constant 499999 : i32
        %min3A_351 = vector.broadcast %min3A_350 : i32 to vector<16xi32>
        %min3A_352 = arith.minsi %sub3A_349, %min3A_351 : vector<16xi32>
        %sub3A_353 = arith.constant 500000 : i32
        %sub3A_354 = vector.broadcast %sub3A_353 : i32 to vector<16xi32>
        %sub3A_355 = arith.subi %get3A_294, %sub3A_354 : vector<16xi32>
        %sub3A_356 = arith.constant 1 : i32
        %sub3A_357 = vector.broadcast %sub3A_356 : i32 to vector<16xi32>
        %sub3A_358 = arith.subi %sub3A_355, %sub3A_357 : vector<16xi32>
        %min3A_359 = arith.constant 499999 : i32
        %min3A_360 = vector.broadcast %min3A_359 : i32 to vector<16xi32>
        %min3A_361 = arith.minsi %sub3A_358, %min3A_360 : vector<16xi32>
        %shift_right_arithmetic3A_362 = arith.constant 2 : i32
        %shift_right_arithmetic3A_363 = vector.broadcast %shift_right_arithmetic3A_362 : i32 to vector<16xi32>
        %shift_right_arithmetic3A_364 = arith.shrsi %max3A_324, %shift_right_arithmetic3A_363 : vector<16xi32>
        %and3A_365 = arith.constant 3 : i32
        %and3A_366 = vector.broadcast %and3A_365 : i32 to vector<16xi32>
        %and3A_367 = arith.andi %max3A_324, %and3A_366 : vector<16xi32>
        tpu.vector_store_idx %arg7[%shift_right_arithmetic3A_364, %and3A_367], %min3A_352 masked %and3A_306 : memref<200x4xi32, #tpu.memory_space<vmem>>[vector<16xi32>, vector<16xi32>], vector<16xi32>, vector<16xi1>
        %shift_right_arithmetic3A_368 = arith.constant 2 : i32
        %shift_right_arithmetic3A_369 = vector.broadcast %shift_right_arithmetic3A_368 : i32 to vector<16xi32>
        %shift_right_arithmetic3A_370 = arith.shrsi %max3A_324, %shift_right_arithmetic3A_369 : vector<16xi32>
        %and3A_371 = arith.constant 3 : i32
        %and3A_372 = vector.broadcast %and3A_371 : i32 to vector<16xi32>
        %and3A_373 = arith.andi %max3A_324, %and3A_372 : vector<16xi32>
        tpu.vector_store_idx %arg8[%shift_right_arithmetic3A_370, %and3A_373], %add3A_299 masked %and3A_306 : memref<200x4xi32, #tpu.memory_space<vmem>>[vector<16xi32>, vector<16xi32>], vector<16xi32>, vector<16xi1>
        %shift_right_arithmetic3A_374 = arith.constant 2 : i32
        %shift_right_arithmetic3A_375 = vector.broadcast %shift_right_arithmetic3A_374 : i32 to vector<16xi32>
        %shift_right_arithmetic3A_376 = arith.shrsi %max3A_335, %shift_right_arithmetic3A_375 : vector<16xi32>
        %and3A_377 = arith.constant 3 : i32
        %and3A_378 = vector.broadcast %and3A_377 : i32 to vector<16xi32>
        %and3A_379 = arith.andi %max3A_335, %and3A_378 : vector<16xi32>
        tpu.vector_store_idx %arg9[%shift_right_arithmetic3A_376, %and3A_379], %min3A_361 masked %gt3A_309 : memref<200x4xi32, #tpu.memory_space<vmem>>[vector<16xi32>, vector<16xi32>], vector<16xi32>, vector<16xi1>
        %shift_right_arithmetic3A_380 = arith.constant 2 : i32
        %shift_right_arithmetic3A_381 = vector.broadcast %shift_right_arithmetic3A_380 : i32 to vector<16xi32>
        %shift_right_arithmetic3A_382 = arith.shrsi %max3A_335, %shift_right_arithmetic3A_381 : vector<16xi32>
        %and3A_383 = arith.constant 3 : i32
        %and3A_384 = vector.broadcast %and3A_383 : i32 to vector<16xi32>
        %and3A_385 = arith.andi %max3A_335, %and3A_384 : vector<16xi32>
        tpu.vector_store_idx %arg10[%shift_right_arithmetic3A_382, %and3A_385], %add3A_299 masked %gt3A_309 : memref<200x4xi32, #tpu.memory_space<vmem>>[vector<16xi32>, vector<16xi32>], vector<16xi32>, vector<16xi1>
        %shift_right_arithmetic3A_386 = arith.constant 2 : i32
        %shift_right_arithmetic3A_387 = vector.broadcast %shift_right_arithmetic3A_386 : i32 to vector<16xi32>
        %shift_right_arithmetic3A_388 = arith.shrsi %max3A_346, %shift_right_arithmetic3A_387 : vector<16xi32>
        %and3A_389 = arith.constant 3 : i32
        %and3A_390 = vector.broadcast %and3A_389 : i32 to vector<16xi32>
        %and3A_391 = arith.andi %max3A_346, %and3A_390 : vector<16xi32>
        tpu.vector_store_idx %arg11[%shift_right_arithmetic3A_388, %and3A_391], %add3A_299 masked %eq3A_312 : memref<200x4xi32, #tpu.memory_space<vmem>>[vector<16xi32>, vector<16xi32>], vector<16xi32>, vector<16xi1>
        %reduce_sum3A = arith.constant true
        %reduce_sum3A_392 = vector.broadcast %reduce_sum3A : i1 to vector<16xi1>
        %reduce_sum3A_393 = tpu.scan <sum>, %convert_element_type3A_313 masked %reduce_sum3A_392 : vector<16xi32>, vector<16xi1> -> vector<16xi32>
        %reduce_sum3A_394 = vector.extract %reduce_sum3A_393[15] : i32 from vector<16xi32>
        %add3A_395 = arith.addi %scan3A_288, %reduce_sum3A_394 : i32
        %reduce_sum3A_396 = arith.constant true
        %reduce_sum3A_397 = vector.broadcast %reduce_sum3A_396 : i1 to vector<16xi1>
        %reduce_sum3A_398 = tpu.scan <sum>, %convert_element_type3A_314 masked %reduce_sum3A_397 : vector<16xi32>, vector<16xi1> -> vector<16xi32>
        %reduce_sum3A_399 = vector.extract %reduce_sum3A_398[15] : i32 from vector<16xi32>
        %add3A_400 = arith.addi %scan3A_289, %reduce_sum3A_399 : i32
        %reduce_sum3A_401 = arith.constant true
        %reduce_sum3A_402 = vector.broadcast %reduce_sum3A_401 : i1 to vector<16xi1>
        %reduce_sum3A_403 = tpu.scan <sum>, %convert_element_type3A_315 masked %reduce_sum3A_402 : vector<16xi32>, vector<16xi1> -> vector<16xi32>
        %reduce_sum3A_404 = vector.extract %reduce_sum3A_403[15] : i32 from vector<16xi32>
        %add3A_405 = arith.addi %scan3A_290, %reduce_sum3A_404 : i32
        scf.yield %add3A_395, %add3A_400, %add3A_405 : i32, i32, i32
      }
      %scan3A_100 = arith.constant 50 : i32
      %and3A_101 = arith.constant 3 : i32
      %and3A_102 = arith.andi %scan3A_99#0, %and3A_101 : i32
      %sub3A = arith.constant 4 : i32
      %sub3A_103 = arith.subi %sub3A, %and3A_102 : i32
      %and3A_104 = arith.constant 3 : i32
      %and3A_105 = arith.andi %sub3A_103, %and3A_104 : i32
      %add3A_106 = arith.constant 0 : i32
      %add3A_107 = vector.broadcast %add3A_106 : i32 to vector<16xi32>
      %add3A_108 = arith.addi %add3A_107, %iota3A : vector<16xi32>
      %lt3A = vector.broadcast %and3A_105 : i32 to vector<16xi32>
      %lt3A_109 = arith.cmpi slt, %add3A_108, %lt3A : vector<16xi32>
      %add3A_110 = vector.broadcast %scan3A_99#0 : i32 to vector<16xi32>
      %add3A_111 = arith.addi %add3A_110, %add3A_108 : vector<16xi32>
      %min3A = arith.constant 799 : i32
      %min3A_112 = vector.broadcast %min3A : i32 to vector<16xi32>
      %min3A_113 = arith.minsi %add3A_111, %min3A_112 : vector<16xi32>
      %shift_right_arithmetic3A = arith.constant 2 : i32
      %shift_right_arithmetic3A_114 = vector.broadcast %shift_right_arithmetic3A : i32 to vector<16xi32>
      %shift_right_arithmetic3A_115 = arith.shrsi %min3A_113, %shift_right_arithmetic3A_114 : vector<16xi32>
      %and3A_116 = arith.constant 3 : i32
      %and3A_117 = vector.broadcast %and3A_116 : i32 to vector<16xi32>
      %and3A_118 = arith.andi %min3A_113, %and3A_117 : vector<16xi32>
      %broadcast_in_dim3A_119 = arith.constant 0 : i32
      %broadcast_in_dim3A_120 = vector.broadcast %broadcast_in_dim3A_119 : i32 to vector<16xi32>
      tpu.vector_store_idx %arg7[%shift_right_arithmetic3A_115, %and3A_118], %broadcast_in_dim3A_120 masked %lt3A_109 : memref<200x4xi32, #tpu.memory_space<vmem>>[vector<16xi32>, vector<16xi32>], vector<16xi32>, vector<16xi1>
      %broadcast_in_dim3A_121 = vector.broadcast %select_n3A : i32 to vector<16xi32>
      tpu.vector_store_idx %arg8[%shift_right_arithmetic3A_115, %and3A_118], %broadcast_in_dim3A_121 masked %lt3A_109 : memref<200x4xi32, #tpu.memory_space<vmem>>[vector<16xi32>, vector<16xi32>], vector<16xi32>, vector<16xi1>
      %and3A_122 = arith.constant 3 : i32
      %and3A_123 = arith.andi %scan3A_99#1, %and3A_122 : i32
      %sub3A_124 = arith.constant 4 : i32
      %sub3A_125 = arith.subi %sub3A_124, %and3A_123 : i32
      %and3A_126 = arith.constant 3 : i32
      %and3A_127 = arith.andi %sub3A_125, %and3A_126 : i32
      %add3A_128 = arith.constant 0 : i32
      %add3A_129 = vector.broadcast %add3A_128 : i32 to vector<16xi32>
      %add3A_130 = arith.addi %add3A_129, %iota3A : vector<16xi32>
      %lt3A_131 = vector.broadcast %and3A_127 : i32 to vector<16xi32>
      %lt3A_132 = arith.cmpi slt, %add3A_130, %lt3A_131 : vector<16xi32>
      %add3A_133 = vector.broadcast %scan3A_99#1 : i32 to vector<16xi32>
      %add3A_134 = arith.addi %add3A_133, %add3A_130 : vector<16xi32>
      %min3A_135 = arith.constant 799 : i32
      %min3A_136 = vector.broadcast %min3A_135 : i32 to vector<16xi32>
      %min3A_137 = arith.minsi %add3A_134, %min3A_136 : vector<16xi32>
      %shift_right_arithmetic3A_138 = arith.constant 2 : i32
      %shift_right_arithmetic3A_139 = vector.broadcast %shift_right_arithmetic3A_138 : i32 to vector<16xi32>
      %shift_right_arithmetic3A_140 = arith.shrsi %min3A_137, %shift_right_arithmetic3A_139 : vector<16xi32>
      %and3A_141 = arith.constant 3 : i32
      %and3A_142 = vector.broadcast %and3A_141 : i32 to vector<16xi32>
      %and3A_143 = arith.andi %min3A_137, %and3A_142 : vector<16xi32>
      %broadcast_in_dim3A_144 = arith.constant 0 : i32
      %broadcast_in_dim3A_145 = vector.broadcast %broadcast_in_dim3A_144 : i32 to vector<16xi32>
      tpu.vector_store_idx %arg9[%shift_right_arithmetic3A_140, %and3A_143], %broadcast_in_dim3A_145 masked %lt3A_132 : memref<200x4xi32, #tpu.memory_space<vmem>>[vector<16xi32>, vector<16xi32>], vector<16xi32>, vector<16xi1>
      %broadcast_in_dim3A_146 = vector.broadcast %select_n3A : i32 to vector<16xi32>
      tpu.vector_store_idx %arg10[%shift_right_arithmetic3A_140, %and3A_143], %broadcast_in_dim3A_146 masked %lt3A_132 : memref<200x4xi32, #tpu.memory_space<vmem>>[vector<16xi32>, vector<16xi32>], vector<16xi32>, vector<16xi1>
      %and3A_147 = arith.constant 3 : i32
      %and3A_148 = arith.andi %scan3A_99#2, %and3A_147 : i32
      %sub3A_149 = arith.constant 4 : i32
      %sub3A_150 = arith.subi %sub3A_149, %and3A_148 : i32
      %and3A_151 = arith.constant 3 : i32
      %and3A_152 = arith.andi %sub3A_150, %and3A_151 : i32
      %add3A_153 = arith.constant 0 : i32
      %add3A_154 = vector.broadcast %add3A_153 : i32 to vector<16xi32>
      %add3A_155 = arith.addi %add3A_154, %iota3A : vector<16xi32>
      %lt3A_156 = vector.broadcast %and3A_152 : i32 to vector<16xi32>
      %lt3A_157 = arith.cmpi slt, %add3A_155, %lt3A_156 : vector<16xi32>
      %add3A_158 = vector.broadcast %scan3A_99#2 : i32 to vector<16xi32>
      %add3A_159 = arith.addi %add3A_158, %add3A_155 : vector<16xi32>
      %min3A_160 = arith.constant 799 : i32
      %min3A_161 = vector.broadcast %min3A_160 : i32 to vector<16xi32>
      %min3A_162 = arith.minsi %add3A_159, %min3A_161 : vector<16xi32>
      %shift_right_arithmetic3A_163 = arith.constant 2 : i32
      %shift_right_arithmetic3A_164 = vector.broadcast %shift_right_arithmetic3A_163 : i32 to vector<16xi32>
      %shift_right_arithmetic3A_165 = arith.shrsi %min3A_162, %shift_right_arithmetic3A_164 : vector<16xi32>
      %and3A_166 = arith.constant 3 : i32
      %and3A_167 = vector.broadcast %and3A_166 : i32 to vector<16xi32>
      %and3A_168 = arith.andi %min3A_162, %and3A_167 : vector<16xi32>
      %broadcast_in_dim3A_169 = vector.broadcast %select_n3A : i32 to vector<16xi32>
      tpu.vector_store_idx %arg11[%shift_right_arithmetic3A_165, %and3A_168], %broadcast_in_dim3A_169 masked %lt3A_157 : memref<200x4xi32, #tpu.memory_space<vmem>>[vector<16xi32>, vector<16xi32>], vector<16xi32>, vector<16xi1>
      %add3A_170 = arith.constant 4 : i32
      %add3A_171 = arith.addi %scan3A_99#0, %add3A_170 : i32
      %sub3A_172 = arith.constant 1 : i32
      %sub3A_173 = arith.subi %add3A_171, %sub3A_172 : i32
      %shift_right_arithmetic3A_174 = arith.constant 2 : i32
      %shift_right_arithmetic3A_175 = arith.shrsi %sub3A_173, %shift_right_arithmetic3A_174 : i32
      %add3A_176 = arith.constant 4 : i32
      %add3A_177 = arith.addi %scan3A_99#1, %add3A_176 : i32
      %sub3A_178 = arith.constant 1 : i32
      %sub3A_179 = arith.subi %add3A_177, %sub3A_178 : i32
      %shift_right_arithmetic3A_180 = arith.constant 2 : i32
      %shift_right_arithmetic3A_181 = arith.shrsi %sub3A_179, %shift_right_arithmetic3A_180 : i32
      %add3A_182 = arith.constant 4 : i32
      %add3A_183 = arith.addi %scan3A_99#2, %add3A_182 : i32
      %sub3A_184 = arith.constant 1 : i32
      %sub3A_185 = arith.subi %add3A_183, %sub3A_184 : i32
      %shift_right_arithmetic3A_186 = arith.constant 2 : i32
      %shift_right_arithmetic3A_187 = arith.shrsi %sub3A_185, %shift_right_arithmetic3A_186 : i32
      %while3A = arith.constant 0 : i32
      %while3A_188 = arith.constant 0 : i32
      %while3A_189 = arith.subi %shift_right_arithmetic3A_175, %while3A_188 : i32
      %while3A_190 = arith.addi %while3A_188, %while3A_189 : i32
      %while3A_191 = arith.constant 1 : i32
      %while3A_192 = arith.divsi %while3A_189, %while3A_191 : i32
      %while3A_193 = arith.muli %while3A_192, %while3A_191 : i32
      %while3A_194 = arith.addi %while3A_188, %while3A_193 : i32
      %while3A_195 = arith.constant 1 : i32
      scf.for %while3A_287 = %while3A_188 to %while3A_194 step %while3A_195  : i32 {
        %mul3A_288 = arith.constant 4 : i32
        %mul3A_289 = arith.muli %while3A_287, %mul3A_288 : i32
        %dma_start3A = arith.constant 0 : i32
        %dma_start3A_290 = tpu.memref_slice %arg12[%mul3A_289, %dma_start3A] : memref<800x64xf32, #tpu.memory_space<vmem>> -> memref<4x64xf32, #tpu.memory_space<vmem>>
        %dma_start3A_291 = arith.constant 0 : i32
        %dma_start3A_292 = tpu.memref_slice %arg7[%while3A_287, %dma_start3A_291] : memref<200x4xi32, #tpu.memory_space<vmem>> -> memref<1x4xi32, #tpu.memory_space<vmem>>
        %dma_start3A_293 = tpu.memref_squeeze %dma_start3A_292 : memref<1x4xi32, #tpu.memory_space<vmem>> -> memref<4xi32, #tpu.memory_space<vmem>>
        %dma_start3A_294 = arith.constant 0 : i32
        %dma_start3A_295 = arith.constant 0 : i32
        %dma_start3A_296 = tpu.memref_slice %arg3[%dma_start3A_294, %dma_start3A_295] : memref<500000x64xf32, #tpu.memory_space<hbm>> -> memref<500000x64xf32, #tpu.memory_space<hbm>>
        tpu.enqueue_indirect_dma source(%dma_start3A_296 : memref<500000x64xf32, #tpu.memory_space<hbm>>) target(%dma_start3A_290 : memref<4x64xf32, #tpu.memory_space<vmem>>) offsets(%dma_start3A_293 : memref<4xi32, #tpu.memory_space<vmem>>) semaphore(%arg16 : memref<!tpu.dma_semaphore, #tpu.memory_space<semaphore_mem>>)
      }
      %while3A_196 = arith.constant 1 : i32
      scf.for %while3A_287 = %while3A_194 to %while3A_190 step %while3A_196  : i32 {
        %mul3A_288 = arith.constant 4 : i32
        %mul3A_289 = arith.muli %while3A_287, %mul3A_288 : i32
        %dma_start3A = arith.constant 0 : i32
        %dma_start3A_290 = tpu.memref_slice %arg12[%mul3A_289, %dma_start3A] : memref<800x64xf32, #tpu.memory_space<vmem>> -> memref<4x64xf32, #tpu.memory_space<vmem>>
        %dma_start3A_291 = arith.constant 0 : i32
        %dma_start3A_292 = tpu.memref_slice %arg7[%while3A_287, %dma_start3A_291] : memref<200x4xi32, #tpu.memory_space<vmem>> -> memref<1x4xi32, #tpu.memory_space<vmem>>
        %dma_start3A_293 = tpu.memref_squeeze %dma_start3A_292 : memref<1x4xi32, #tpu.memory_space<vmem>> -> memref<4xi32, #tpu.memory_space<vmem>>
        %dma_start3A_294 = arith.constant 0 : i32
        %dma_start3A_295 = arith.constant 0 : i32
        %dma_start3A_296 = tpu.memref_slice %arg3[%dma_start3A_294, %dma_start3A_295] : memref<500000x64xf32, #tpu.memory_space<hbm>> -> memref<500000x64xf32, #tpu.memory_space<hbm>>
        tpu.enqueue_indirect_dma source(%dma_start3A_296 : memref<500000x64xf32, #tpu.memory_space<hbm>>) target(%dma_start3A_290 : memref<4x64xf32, #tpu.memory_space<vmem>>) offsets(%dma_start3A_293 : memref<4xi32, #tpu.memory_space<vmem>>) semaphore(%arg16 : memref<!tpu.dma_semaphore, #tpu.memory_space<semaphore_mem>>)
      }
      %while3A_197 = arith.constant 0 : i32
      %while3A_198 = arith.constant 0 : i32
      %while3A_199 = arith.subi %shift_right_arithmetic3A_181, %while3A_198 : i32
      %while3A_200 = arith.addi %while3A_198, %while3A_199 : i32
      %while3A_201 = arith.constant 1 : i32
      %while3A_202 = arith.divsi %while3A_199, %while3A_201 : i32
      %while3A_203 = arith.muli %while3A_202, %while3A_201 : i32
      %while3A_204 = arith.addi %while3A_198, %while3A_203 : i32
      %while3A_205 = arith.constant 1 : i32
      scf.for %while3A_287 = %while3A_198 to %while3A_204 step %while3A_205  : i32 {
        %mul3A_288 = arith.constant 4 : i32
        %mul3A_289 = arith.muli %while3A_287, %mul3A_288 : i32
        %dma_start3A = arith.constant 0 : i32
        %dma_start3A_290 = tpu.memref_slice %arg13[%mul3A_289, %dma_start3A] : memref<800x64xf32, #tpu.memory_space<vmem>> -> memref<4x64xf32, #tpu.memory_space<vmem>>
        %dma_start3A_291 = arith.constant 0 : i32
        %dma_start3A_292 = tpu.memref_slice %arg9[%while3A_287, %dma_start3A_291] : memref<200x4xi32, #tpu.memory_space<vmem>> -> memref<1x4xi32, #tpu.memory_space<vmem>>
        %dma_start3A_293 = tpu.memref_squeeze %dma_start3A_292 : memref<1x4xi32, #tpu.memory_space<vmem>> -> memref<4xi32, #tpu.memory_space<vmem>>
        %dma_start3A_294 = arith.constant 0 : i32
        %dma_start3A_295 = arith.constant 0 : i32
        %dma_start3A_296 = tpu.memref_slice %arg4[%dma_start3A_294, %dma_start3A_295] : memref<500000x64xf32, #tpu.memory_space<hbm>> -> memref<500000x64xf32, #tpu.memory_space<hbm>>
        tpu.enqueue_indirect_dma source(%dma_start3A_296 : memref<500000x64xf32, #tpu.memory_space<hbm>>) target(%dma_start3A_290 : memref<4x64xf32, #tpu.memory_space<vmem>>) offsets(%dma_start3A_293 : memref<4xi32, #tpu.memory_space<vmem>>) semaphore(%arg16 : memref<!tpu.dma_semaphore, #tpu.memory_space<semaphore_mem>>)
      }
      %while3A_206 = arith.constant 1 : i32
      scf.for %while3A_287 = %while3A_204 to %while3A_200 step %while3A_206  : i32 {
        %mul3A_288 = arith.constant 4 : i32
        %mul3A_289 = arith.muli %while3A_287, %mul3A_288 : i32
        %dma_start3A = arith.constant 0 : i32
        %dma_start3A_290 = tpu.memref_slice %arg13[%mul3A_289, %dma_start3A] : memref<800x64xf32, #tpu.memory_space<vmem>> -> memref<4x64xf32, #tpu.memory_space<vmem>>
        %dma_start3A_291 = arith.constant 0 : i32
        %dma_start3A_292 = tpu.memref_slice %arg9[%while3A_287, %dma_start3A_291] : memref<200x4xi32, #tpu.memory_space<vmem>> -> memref<1x4xi32, #tpu.memory_space<vmem>>
        %dma_start3A_293 = tpu.memref_squeeze %dma_start3A_292 : memref<1x4xi32, #tpu.memory_space<vmem>> -> memref<4xi32, #tpu.memory_space<vmem>>
        %dma_start3A_294 = arith.constant 0 : i32
        %dma_start3A_295 = arith.constant 0 : i32
        %dma_start3A_296 = tpu.memref_slice %arg4[%dma_start3A_294, %dma_start3A_295] : memref<500000x64xf32, #tpu.memory_space<hbm>> -> memref<500000x64xf32, #tpu.memory_space<hbm>>
        tpu.enqueue_indirect_dma source(%dma_start3A_296 : memref<500000x64xf32, #tpu.memory_space<hbm>>) target(%dma_start3A_290 : memref<4x64xf32, #tpu.memory_space<vmem>>) offsets(%dma_start3A_293 : memref<4xi32, #tpu.memory_space<vmem>>) semaphore(%arg16 : memref<!tpu.dma_semaphore, #tpu.memory_space<semaphore_mem>>)
      }
      %while3A_207 = arith.constant 0 : i32
      %while3A_208 = arith.constant 0 : i32
      %while3A_209 = arith.subi %shift_right_arithmetic3A_175, %while3A_208 : i32
      %while3A_210 = arith.addi %while3A_208, %while3A_209 : i32
      %while3A_211 = arith.constant 1 : i32
      %while3A_212 = arith.divsi %while3A_209, %while3A_211 : i32
      %while3A_213 = arith.muli %while3A_212, %while3A_211 : i32
      %while3A_214 = arith.addi %while3A_208, %while3A_213 : i32
      %while3A_215 = arith.constant 1 : i32
      scf.for %while3A_287 = %while3A_208 to %while3A_214 step %while3A_215  : i32 {
        %mul3A_288 = arith.constant 4 : i32
        %mul3A_289 = arith.muli %while3A_287, %mul3A_288 : i32
        %dma_wait3A = arith.constant 0 : i32
        %dma_wait3A_290 = tpu.memref_slice %arg12[%mul3A_289, %dma_wait3A] : memref<800x64xf32, #tpu.memory_space<vmem>> -> memref<4x64xf32, #tpu.memory_space<vmem>>
        %dma_wait3A_291 = arith.constant 0 : i32
        %dma_wait3A_292 = tpu.memref_slice %arg7[%while3A_287, %dma_wait3A_291] : memref<200x4xi32, #tpu.memory_space<vmem>> -> memref<1x4xi32, #tpu.memory_space<vmem>>
        %dma_wait3A_293 = tpu.memref_squeeze %dma_wait3A_292 : memref<1x4xi32, #tpu.memory_space<vmem>> -> memref<4xi32, #tpu.memory_space<vmem>>
        %dma_wait3A_294 = arith.constant 0 : i32
        %dma_wait3A_295 = arith.constant 0 : i32
        %dma_wait3A_296 = tpu.memref_slice %arg3[%dma_wait3A_294, %dma_wait3A_295] : memref<500000x64xf32, #tpu.memory_space<hbm>> -> memref<500000x64xf32, #tpu.memory_space<hbm>>
        tpu.wait_indirect_dma semaphore(%arg16 : memref<!tpu.dma_semaphore, #tpu.memory_space<semaphore_mem>>) src(%dma_wait3A_296 : memref<500000x64xf32, #tpu.memory_space<hbm>>) dst(%dma_wait3A_290 : memref<4x64xf32, #tpu.memory_space<vmem>>)
      }
      %while3A_216 = arith.constant 1 : i32
      scf.for %while3A_287 = %while3A_214 to %while3A_210 step %while3A_216  : i32 {
        %mul3A_288 = arith.constant 4 : i32
        %mul3A_289 = arith.muli %while3A_287, %mul3A_288 : i32
        %dma_wait3A = arith.constant 0 : i32
        %dma_wait3A_290 = tpu.memref_slice %arg12[%mul3A_289, %dma_wait3A] : memref<800x64xf32, #tpu.memory_space<vmem>> -> memref<4x64xf32, #tpu.memory_space<vmem>>
        %dma_wait3A_291 = arith.constant 0 : i32
        %dma_wait3A_292 = tpu.memref_slice %arg7[%while3A_287, %dma_wait3A_291] : memref<200x4xi32, #tpu.memory_space<vmem>> -> memref<1x4xi32, #tpu.memory_space<vmem>>
        %dma_wait3A_293 = tpu.memref_squeeze %dma_wait3A_292 : memref<1x4xi32, #tpu.memory_space<vmem>> -> memref<4xi32, #tpu.memory_space<vmem>>
        %dma_wait3A_294 = arith.constant 0 : i32
        %dma_wait3A_295 = arith.constant 0 : i32
        %dma_wait3A_296 = tpu.memref_slice %arg3[%dma_wait3A_294, %dma_wait3A_295] : memref<500000x64xf32, #tpu.memory_space<hbm>> -> memref<500000x64xf32, #tpu.memory_space<hbm>>
        tpu.wait_indirect_dma semaphore(%arg16 : memref<!tpu.dma_semaphore, #tpu.memory_space<semaphore_mem>>) src(%dma_wait3A_296 : memref<500000x64xf32, #tpu.memory_space<hbm>>) dst(%dma_wait3A_290 : memref<4x64xf32, #tpu.memory_space<vmem>>)
      }
      %while3A_217 = arith.constant 0 : i32
      %while3A_218 = arith.constant 0 : i32
      %while3A_219 = arith.subi %shift_right_arithmetic3A_181, %while3A_218 : i32
      %while3A_220 = arith.addi %while3A_218, %while3A_219 : i32
      %while3A_221 = arith.constant 1 : i32
      %while3A_222 = arith.divsi %while3A_219, %while3A_221 : i32
      %while3A_223 = arith.muli %while3A_222, %while3A_221 : i32
      %while3A_224 = arith.addi %while3A_218, %while3A_223 : i32
      %while3A_225 = arith.constant 1 : i32
      scf.for %while3A_287 = %while3A_218 to %while3A_224 step %while3A_225  : i32 {
        %mul3A_288 = arith.constant 4 : i32
        %mul3A_289 = arith.muli %while3A_287, %mul3A_288 : i32
        %dma_wait3A = arith.constant 0 : i32
        %dma_wait3A_290 = tpu.memref_slice %arg13[%mul3A_289, %dma_wait3A] : memref<800x64xf32, #tpu.memory_space<vmem>> -> memref<4x64xf32, #tpu.memory_space<vmem>>
        %dma_wait3A_291 = arith.constant 0 : i32
        %dma_wait3A_292 = tpu.memref_slice %arg9[%while3A_287, %dma_wait3A_291] : memref<200x4xi32, #tpu.memory_space<vmem>> -> memref<1x4xi32, #tpu.memory_space<vmem>>
        %dma_wait3A_293 = tpu.memref_squeeze %dma_wait3A_292 : memref<1x4xi32, #tpu.memory_space<vmem>> -> memref<4xi32, #tpu.memory_space<vmem>>
        %dma_wait3A_294 = arith.constant 0 : i32
        %dma_wait3A_295 = arith.constant 0 : i32
        %dma_wait3A_296 = tpu.memref_slice %arg4[%dma_wait3A_294, %dma_wait3A_295] : memref<500000x64xf32, #tpu.memory_space<hbm>> -> memref<500000x64xf32, #tpu.memory_space<hbm>>
        tpu.wait_indirect_dma semaphore(%arg16 : memref<!tpu.dma_semaphore, #tpu.memory_space<semaphore_mem>>) src(%dma_wait3A_296 : memref<500000x64xf32, #tpu.memory_space<hbm>>) dst(%dma_wait3A_290 : memref<4x64xf32, #tpu.memory_space<vmem>>)
      }
      %while3A_226 = arith.constant 1 : i32
      scf.for %while3A_287 = %while3A_224 to %while3A_220 step %while3A_226  : i32 {
        %mul3A_288 = arith.constant 4 : i32
        %mul3A_289 = arith.muli %while3A_287, %mul3A_288 : i32
        %dma_wait3A = arith.constant 0 : i32
        %dma_wait3A_290 = tpu.memref_slice %arg13[%mul3A_289, %dma_wait3A] : memref<800x64xf32, #tpu.memory_space<vmem>> -> memref<4x64xf32, #tpu.memory_space<vmem>>
        %dma_wait3A_291 = arith.constant 0 : i32
        %dma_wait3A_292 = tpu.memref_slice %arg9[%while3A_287, %dma_wait3A_291] : memref<200x4xi32, #tpu.memory_space<vmem>> -> memref<1x4xi32, #tpu.memory_space<vmem>>
        %dma_wait3A_293 = tpu.memref_squeeze %dma_wait3A_292 : memref<1x4xi32, #tpu.memory_space<vmem>> -> memref<4xi32, #tpu.memory_space<vmem>>
        %dma_wait3A_294 = arith.constant 0 : i32
        %dma_wait3A_295 = arith.constant 0 : i32
        %dma_wait3A_296 = tpu.memref_slice %arg4[%dma_wait3A_294, %dma_wait3A_295] : memref<500000x64xf32, #tpu.memory_space<hbm>> -> memref<500000x64xf32, #tpu.memory_space<hbm>>
        tpu.wait_indirect_dma semaphore(%arg16 : memref<!tpu.dma_semaphore, #tpu.memory_space<semaphore_mem>>) src(%dma_wait3A_296 : memref<500000x64xf32, #tpu.memory_space<hbm>>) dst(%dma_wait3A_290 : memref<4x64xf32, #tpu.memory_space<vmem>>)
      }
      %while3A_227 = arith.constant 0 : i32
      %while3A_228 = arith.constant 0 : i32
      %while3A_229 = arith.subi %shift_right_arithmetic3A_175, %while3A_228 : i32
      %while3A_230 = arith.addi %while3A_228, %while3A_229 : i32
      %while3A_231 = arith.constant 1 : i32
      %while3A_232 = arith.divsi %while3A_229, %while3A_231 : i32
      %while3A_233 = arith.muli %while3A_232, %while3A_231 : i32
      %while3A_234 = arith.addi %while3A_228, %while3A_233 : i32
      %while3A_235 = arith.constant 1 : i32
      scf.for %while3A_287 = %while3A_228 to %while3A_234 step %while3A_235  : i32 {
        %mul3A_288 = arith.constant 4 : i32
        %mul3A_289 = arith.muli %while3A_287, %mul3A_288 : i32
        %dma_start3A = arith.constant 0 : i32
        %dma_start3A_290 = tpu.memref_slice %arg12[%mul3A_289, %dma_start3A] : memref<800x64xf32, #tpu.memory_space<vmem>> -> memref<4x64xf32, #tpu.memory_space<vmem>>
        %dma_start3A_291 = arith.constant 0 : i32
        %dma_start3A_292 = tpu.memref_slice %arg8[%while3A_287, %dma_start3A_291] : memref<200x4xi32, #tpu.memory_space<vmem>> -> memref<1x4xi32, #tpu.memory_space<vmem>>
        %dma_start3A_293 = tpu.memref_squeeze %dma_start3A_292 : memref<1x4xi32, #tpu.memory_space<vmem>> -> memref<4xi32, #tpu.memory_space<vmem>>
        %dma_start3A_294 = arith.constant 0 : i32
        %dma_start3A_295 = arith.constant 0 : i32
        %dma_start3A_296 = tpu.memref_slice %arg5[%dma_start3A_294, %dma_start3A_295] : memref<819200x64xf32, #tpu.memory_space<hbm>> -> memref<819200x64xf32, #tpu.memory_space<hbm>>
        tpu.enqueue_indirect_dma source(%dma_start3A_290 : memref<4x64xf32, #tpu.memory_space<vmem>>) target(%dma_start3A_296 : memref<819200x64xf32, #tpu.memory_space<hbm>>) offsets(%dma_start3A_293 : memref<4xi32, #tpu.memory_space<vmem>>) semaphore(%arg17 : memref<!tpu.dma_semaphore, #tpu.memory_space<semaphore_mem>>)
      }
      %while3A_236 = arith.constant 1 : i32
      scf.for %while3A_287 = %while3A_234 to %while3A_230 step %while3A_236  : i32 {
        %mul3A_288 = arith.constant 4 : i32
        %mul3A_289 = arith.muli %while3A_287, %mul3A_288 : i32
        %dma_start3A = arith.constant 0 : i32
        %dma_start3A_290 = tpu.memref_slice %arg12[%mul3A_289, %dma_start3A] : memref<800x64xf32, #tpu.memory_space<vmem>> -> memref<4x64xf32, #tpu.memory_space<vmem>>
        %dma_start3A_291 = arith.constant 0 : i32
        %dma_start3A_292 = tpu.memref_slice %arg8[%while3A_287, %dma_start3A_291] : memref<200x4xi32, #tpu.memory_space<vmem>> -> memref<1x4xi32, #tpu.memory_space<vmem>>
        %dma_start3A_293 = tpu.memref_squeeze %dma_start3A_292 : memref<1x4xi32, #tpu.memory_space<vmem>> -> memref<4xi32, #tpu.memory_space<vmem>>
        %dma_start3A_294 = arith.constant 0 : i32
        %dma_start3A_295 = arith.constant 0 : i32
        %dma_start3A_296 = tpu.memref_slice %arg5[%dma_start3A_294, %dma_start3A_295] : memref<819200x64xf32, #tpu.memory_space<hbm>> -> memref<819200x64xf32, #tpu.memory_space<hbm>>
        tpu.enqueue_indirect_dma source(%dma_start3A_290 : memref<4x64xf32, #tpu.memory_space<vmem>>) target(%dma_start3A_296 : memref<819200x64xf32, #tpu.memory_space<hbm>>) offsets(%dma_start3A_293 : memref<4xi32, #tpu.memory_space<vmem>>) semaphore(%arg17 : memref<!tpu.dma_semaphore, #tpu.memory_space<semaphore_mem>>)
      }
      %while3A_237 = arith.constant 0 : i32
      %while3A_238 = arith.constant 0 : i32
      %while3A_239 = arith.subi %shift_right_arithmetic3A_181, %while3A_238 : i32
      %while3A_240 = arith.addi %while3A_238, %while3A_239 : i32
      %while3A_241 = arith.constant 1 : i32
      %while3A_242 = arith.divsi %while3A_239, %while3A_241 : i32
      %while3A_243 = arith.muli %while3A_242, %while3A_241 : i32
      %while3A_244 = arith.addi %while3A_238, %while3A_243 : i32
      %while3A_245 = arith.constant 1 : i32
      scf.for %while3A_287 = %while3A_238 to %while3A_244 step %while3A_245  : i32 {
        %mul3A_288 = arith.constant 4 : i32
        %mul3A_289 = arith.muli %while3A_287, %mul3A_288 : i32
        %dma_start3A = arith.constant 0 : i32
        %dma_start3A_290 = tpu.memref_slice %arg13[%mul3A_289, %dma_start3A] : memref<800x64xf32, #tpu.memory_space<vmem>> -> memref<4x64xf32, #tpu.memory_space<vmem>>
        %dma_start3A_291 = arith.constant 0 : i32
        %dma_start3A_292 = tpu.memref_slice %arg10[%while3A_287, %dma_start3A_291] : memref<200x4xi32, #tpu.memory_space<vmem>> -> memref<1x4xi32, #tpu.memory_space<vmem>>
        %dma_start3A_293 = tpu.memref_squeeze %dma_start3A_292 : memref<1x4xi32, #tpu.memory_space<vmem>> -> memref<4xi32, #tpu.memory_space<vmem>>
        %dma_start3A_294 = arith.constant 0 : i32
        %dma_start3A_295 = arith.constant 0 : i32
        %dma_start3A_296 = tpu.memref_slice %arg5[%dma_start3A_294, %dma_start3A_295] : memref<819200x64xf32, #tpu.memory_space<hbm>> -> memref<819200x64xf32, #tpu.memory_space<hbm>>
        tpu.enqueue_indirect_dma source(%dma_start3A_290 : memref<4x64xf32, #tpu.memory_space<vmem>>) target(%dma_start3A_296 : memref<819200x64xf32, #tpu.memory_space<hbm>>) offsets(%dma_start3A_293 : memref<4xi32, #tpu.memory_space<vmem>>) semaphore(%arg17 : memref<!tpu.dma_semaphore, #tpu.memory_space<semaphore_mem>>)
      }
      %while3A_246 = arith.constant 1 : i32
      scf.for %while3A_287 = %while3A_244 to %while3A_240 step %while3A_246  : i32 {
        %mul3A_288 = arith.constant 4 : i32
        %mul3A_289 = arith.muli %while3A_287, %mul3A_288 : i32
        %dma_start3A = arith.constant 0 : i32
        %dma_start3A_290 = tpu.memref_slice %arg13[%mul3A_289, %dma_start3A] : memref<800x64xf32, #tpu.memory_space<vmem>> -> memref<4x64xf32, #tpu.memory_space<vmem>>
        %dma_start3A_291 = arith.constant 0 : i32
        %dma_start3A_292 = tpu.memref_slice %arg10[%while3A_287, %dma_start3A_291] : memref<200x4xi32, #tpu.memory_space<vmem>> -> memref<1x4xi32, #tpu.memory_space<vmem>>
        %dma_start3A_293 = tpu.memref_squeeze %dma_start3A_292 : memref<1x4xi32, #tpu.memory_space<vmem>> -> memref<4xi32, #tpu.memory_space<vmem>>
        %dma_start3A_294 = arith.constant 0 : i32
        %dma_start3A_295 = arith.constant 0 : i32
        %dma_start3A_296 = tpu.memref_slice %arg5[%dma_start3A_294, %dma_start3A_295] : memref<819200x64xf32, #tpu.memory_space<hbm>> -> memref<819200x64xf32, #tpu.memory_space<hbm>>
        tpu.enqueue_indirect_dma source(%dma_start3A_290 : memref<4x64xf32, #tpu.memory_space<vmem>>) target(%dma_start3A_296 : memref<819200x64xf32, #tpu.memory_space<hbm>>) offsets(%dma_start3A_293 : memref<4xi32, #tpu.memory_space<vmem>>) semaphore(%arg17 : memref<!tpu.dma_semaphore, #tpu.memory_space<semaphore_mem>>)
      }
      %while3A_247 = arith.constant 0 : i32
      %while3A_248 = arith.constant 0 : i32
      %while3A_249 = arith.subi %shift_right_arithmetic3A_187, %while3A_248 : i32
      %while3A_250 = arith.addi %while3A_248, %while3A_249 : i32
      %while3A_251 = arith.constant 1 : i32
      %while3A_252 = arith.divsi %while3A_249, %while3A_251 : i32
      %while3A_253 = arith.muli %while3A_252, %while3A_251 : i32
      %while3A_254 = arith.addi %while3A_248, %while3A_253 : i32
      %while3A_255 = arith.constant 1 : i32
      scf.for %while3A_287 = %while3A_248 to %while3A_254 step %while3A_255  : i32 {
        %dma_start3A = arith.constant 0 : i32
        %dma_start3A_288 = tpu.memref_slice %arg11[%while3A_287, %dma_start3A] : memref<200x4xi32, #tpu.memory_space<vmem>> -> memref<1x4xi32, #tpu.memory_space<vmem>>
        %dma_start3A_289 = tpu.memref_squeeze %dma_start3A_288 : memref<1x4xi32, #tpu.memory_space<vmem>> -> memref<4xi32, #tpu.memory_space<vmem>>
        %dma_start3A_290 = arith.constant 0 : i32
        %dma_start3A_291 = arith.constant 0 : i32
        %dma_start3A_292 = tpu.memref_slice %arg5[%dma_start3A_290, %dma_start3A_291] : memref<819200x64xf32, #tpu.memory_space<hbm>> -> memref<819200x64xf32, #tpu.memory_space<hbm>>
        tpu.enqueue_indirect_dma source(%arg14 : memref<4x64xf32, #tpu.memory_space<vmem>>) target(%dma_start3A_292 : memref<819200x64xf32, #tpu.memory_space<hbm>>) offsets(%dma_start3A_289 : memref<4xi32, #tpu.memory_space<vmem>>) semaphore(%arg17 : memref<!tpu.dma_semaphore, #tpu.memory_space<semaphore_mem>>)
      }
      %while3A_256 = arith.constant 1 : i32
      scf.for %while3A_287 = %while3A_254 to %while3A_250 step %while3A_256  : i32 {
        %dma_start3A = arith.constant 0 : i32
        %dma_start3A_288 = tpu.memref_slice %arg11[%while3A_287, %dma_start3A] : memref<200x4xi32, #tpu.memory_space<vmem>> -> memref<1x4xi32, #tpu.memory_space<vmem>>
        %dma_start3A_289 = tpu.memref_squeeze %dma_start3A_288 : memref<1x4xi32, #tpu.memory_space<vmem>> -> memref<4xi32, #tpu.memory_space<vmem>>
        %dma_start3A_290 = arith.constant 0 : i32
        %dma_start3A_291 = arith.constant 0 : i32
        %dma_start3A_292 = tpu.memref_slice %arg5[%dma_start3A_290, %dma_start3A_291] : memref<819200x64xf32, #tpu.memory_space<hbm>> -> memref<819200x64xf32, #tpu.memory_space<hbm>>
        tpu.enqueue_indirect_dma source(%arg14 : memref<4x64xf32, #tpu.memory_space<vmem>>) target(%dma_start3A_292 : memref<819200x64xf32, #tpu.memory_space<hbm>>) offsets(%dma_start3A_289 : memref<4xi32, #tpu.memory_space<vmem>>) semaphore(%arg17 : memref<!tpu.dma_semaphore, #tpu.memory_space<semaphore_mem>>)
      }
      %while3A_257 = arith.constant 0 : i32
      %while3A_258 = arith.constant 0 : i32
      %while3A_259 = arith.subi %shift_right_arithmetic3A_175, %while3A_258 : i32
      %while3A_260 = arith.addi %while3A_258, %while3A_259 : i32
      %while3A_261 = arith.constant 1 : i32
      %while3A_262 = arith.divsi %while3A_259, %while3A_261 : i32
      %while3A_263 = arith.muli %while3A_262, %while3A_261 : i32
      %while3A_264 = arith.addi %while3A_258, %while3A_263 : i32
      %while3A_265 = arith.constant 1 : i32
      scf.for %while3A_287 = %while3A_258 to %while3A_264 step %while3A_265  : i32 {
        %mul3A_288 = arith.constant 4 : i32
        %mul3A_289 = arith.muli %while3A_287, %mul3A_288 : i32
        %dma_wait3A = arith.constant 0 : i32
        %dma_wait3A_290 = tpu.memref_slice %arg12[%mul3A_289, %dma_wait3A] : memref<800x64xf32, #tpu.memory_space<vmem>> -> memref<4x64xf32, #tpu.memory_space<vmem>>
        %dma_wait3A_291 = arith.constant 0 : i32
        %dma_wait3A_292 = tpu.memref_slice %arg8[%while3A_287, %dma_wait3A_291] : memref<200x4xi32, #tpu.memory_space<vmem>> -> memref<1x4xi32, #tpu.memory_space<vmem>>
        %dma_wait3A_293 = tpu.memref_squeeze %dma_wait3A_292 : memref<1x4xi32, #tpu.memory_space<vmem>> -> memref<4xi32, #tpu.memory_space<vmem>>
        %dma_wait3A_294 = arith.constant 0 : i32
        %dma_wait3A_295 = arith.constant 0 : i32
        %dma_wait3A_296 = tpu.memref_slice %arg5[%dma_wait3A_294, %dma_wait3A_295] : memref<819200x64xf32, #tpu.memory_space<hbm>> -> memref<819200x64xf32, #tpu.memory_space<hbm>>
        tpu.wait_indirect_dma semaphore(%arg17 : memref<!tpu.dma_semaphore, #tpu.memory_space<semaphore_mem>>) src(%dma_wait3A_290 : memref<4x64xf32, #tpu.memory_space<vmem>>) dst(%dma_wait3A_296 : memref<819200x64xf32, #tpu.memory_space<hbm>>)
      }
      %while3A_266 = arith.constant 1 : i32
      scf.for %while3A_287 = %while3A_264 to %while3A_260 step %while3A_266  : i32 {
        %mul3A_288 = arith.constant 4 : i32
        %mul3A_289 = arith.muli %while3A_287, %mul3A_288 : i32
        %dma_wait3A = arith.constant 0 : i32
        %dma_wait3A_290 = tpu.memref_slice %arg12[%mul3A_289, %dma_wait3A] : memref<800x64xf32, #tpu.memory_space<vmem>> -> memref<4x64xf32, #tpu.memory_space<vmem>>
        %dma_wait3A_291 = arith.constant 0 : i32
        %dma_wait3A_292 = tpu.memref_slice %arg8[%while3A_287, %dma_wait3A_291] : memref<200x4xi32, #tpu.memory_space<vmem>> -> memref<1x4xi32, #tpu.memory_space<vmem>>
        %dma_wait3A_293 = tpu.memref_squeeze %dma_wait3A_292 : memref<1x4xi32, #tpu.memory_space<vmem>> -> memref<4xi32, #tpu.memory_space<vmem>>
        %dma_wait3A_294 = arith.constant 0 : i32
        %dma_wait3A_295 = arith.constant 0 : i32
        %dma_wait3A_296 = tpu.memref_slice %arg5[%dma_wait3A_294, %dma_wait3A_295] : memref<819200x64xf32, #tpu.memory_space<hbm>> -> memref<819200x64xf32, #tpu.memory_space<hbm>>
        tpu.wait_indirect_dma semaphore(%arg17 : memref<!tpu.dma_semaphore, #tpu.memory_space<semaphore_mem>>) src(%dma_wait3A_290 : memref<4x64xf32, #tpu.memory_space<vmem>>) dst(%dma_wait3A_296 : memref<819200x64xf32, #tpu.memory_space<hbm>>)
      }
      %while3A_267 = arith.constant 0 : i32
      %while3A_268 = arith.constant 0 : i32
      %while3A_269 = arith.subi %shift_right_arithmetic3A_181, %while3A_268 : i32
      %while3A_270 = arith.addi %while3A_268, %while3A_269 : i32
      %while3A_271 = arith.constant 1 : i32
      %while3A_272 = arith.divsi %while3A_269, %while3A_271 : i32
      %while3A_273 = arith.muli %while3A_272, %while3A_271 : i32
      %while3A_274 = arith.addi %while3A_268, %while3A_273 : i32
      %while3A_275 = arith.constant 1 : i32
      scf.for %while3A_287 = %while3A_268 to %while3A_274 step %while3A_275  : i32 {
        %mul3A_288 = arith.constant 4 : i32
        %mul3A_289 = arith.muli %while3A_287, %mul3A_288 : i32
        %dma_wait3A = arith.constant 0 : i32
        %dma_wait3A_290 = tpu.memref_slice %arg13[%mul3A_289, %dma_wait3A] : memref<800x64xf32, #tpu.memory_space<vmem>> -> memref<4x64xf32, #tpu.memory_space<vmem>>
        %dma_wait3A_291 = arith.constant 0 : i32
        %dma_wait3A_292 = tpu.memref_slice %arg10[%while3A_287, %dma_wait3A_291] : memref<200x4xi32, #tpu.memory_space<vmem>> -> memref<1x4xi32, #tpu.memory_space<vmem>>
        %dma_wait3A_293 = tpu.memref_squeeze %dma_wait3A_292 : memref<1x4xi32, #tpu.memory_space<vmem>> -> memref<4xi32, #tpu.memory_space<vmem>>
        %dma_wait3A_294 = arith.constant 0 : i32
        %dma_wait3A_295 = arith.constant 0 : i32
        %dma_wait3A_296 = tpu.memref_slice %arg5[%dma_wait3A_294, %dma_wait3A_295] : memref<819200x64xf32, #tpu.memory_space<hbm>> -> memref<819200x64xf32, #tpu.memory_space<hbm>>
        tpu.wait_indirect_dma semaphore(%arg17 : memref<!tpu.dma_semaphore, #tpu.memory_space<semaphore_mem>>) src(%dma_wait3A_290 : memref<4x64xf32, #tpu.memory_space<vmem>>) dst(%dma_wait3A_296 : memref<819200x64xf32, #tpu.memory_space<hbm>>)
      }
      %while3A_276 = arith.constant 1 : i32
      scf.for %while3A_287 = %while3A_274 to %while3A_270 step %while3A_276  : i32 {
        %mul3A_288 = arith.constant 4 : i32
        %mul3A_289 = arith.muli %while3A_287, %mul3A_288 : i32
        %dma_wait3A = arith.constant 0 : i32
        %dma_wait3A_290 = tpu.memref_slice %arg13[%mul3A_289, %dma_wait3A] : memref<800x64xf32, #tpu.memory_space<vmem>> -> memref<4x64xf32, #tpu.memory_space<vmem>>
        %dma_wait3A_291 = arith.constant 0 : i32
        %dma_wait3A_292 = tpu.memref_slice %arg10[%while3A_287, %dma_wait3A_291] : memref<200x4xi32, #tpu.memory_space<vmem>> -> memref<1x4xi32, #tpu.memory_space<vmem>>
        %dma_wait3A_293 = tpu.memref_squeeze %dma_wait3A_292 : memref<1x4xi32, #tpu.memory_space<vmem>> -> memref<4xi32, #tpu.memory_space<vmem>>
        %dma_wait3A_294 = arith.constant 0 : i32
        %dma_wait3A_295 = arith.constant 0 : i32
        %dma_wait3A_296 = tpu.memref_slice %arg5[%dma_wait3A_294, %dma_wait3A_295] : memref<819200x64xf32, #tpu.memory_space<hbm>> -> memref<819200x64xf32, #tpu.memory_space<hbm>>
        tpu.wait_indirect_dma semaphore(%arg17 : memref<!tpu.dma_semaphore, #tpu.memory_space<semaphore_mem>>) src(%dma_wait3A_290 : memref<4x64xf32, #tpu.memory_space<vmem>>) dst(%dma_wait3A_296 : memref<819200x64xf32, #tpu.memory_space<hbm>>)
      }
      %while3A_277 = arith.constant 0 : i32
      %while3A_278 = arith.constant 0 : i32
      %while3A_279 = arith.subi %shift_right_arithmetic3A_187, %while3A_278 : i32
      %while3A_280 = arith.addi %while3A_278, %while3A_279 : i32
      %while3A_281 = arith.constant 1 : i32
      %while3A_282 = arith.divsi %while3A_279, %while3A_281 : i32
      %while3A_283 = arith.muli %while3A_282, %while3A_281 : i32
      %while3A_284 = arith.addi %while3A_278, %while3A_283 : i32
      %while3A_285 = arith.constant 1 : i32
      scf.for %while3A_287 = %while3A_278 to %while3A_284 step %while3A_285  : i32 {
        %dma_wait3A = arith.constant 0 : i32
        %dma_wait3A_288 = tpu.memref_slice %arg11[%while3A_287, %dma_wait3A] : memref<200x4xi32, #tpu.memory_space<vmem>> -> memref<1x4xi32, #tpu.memory_space<vmem>>
        %dma_wait3A_289 = tpu.memref_squeeze %dma_wait3A_288 : memref<1x4xi32, #tpu.memory_space<vmem>> -> memref<4xi32, #tpu.memory_space<vmem>>
        %dma_wait3A_290 = arith.constant 0 : i32
        %dma_wait3A_291 = arith.constant 0 : i32
        %dma_wait3A_292 = tpu.memref_slice %arg5[%dma_wait3A_290, %dma_wait3A_291] : memref<819200x64xf32, #tpu.memory_space<hbm>> -> memref<819200x64xf32, #tpu.memory_space<hbm>>
        tpu.wait_indirect_dma semaphore(%arg17 : memref<!tpu.dma_semaphore, #tpu.memory_space<semaphore_mem>>) src(%arg14 : memref<4x64xf32, #tpu.memory_space<vmem>>) dst(%dma_wait3A_292 : memref<819200x64xf32, #tpu.memory_space<hbm>>)
      }
      %while3A_286 = arith.constant 1 : i32
      scf.for %while3A_287 = %while3A_284 to %while3A_280 step %while3A_286  : i32 {
        %dma_wait3A = arith.constant 0 : i32
        %dma_wait3A_288 = tpu.memref_slice %arg11[%while3A_287, %dma_wait3A] : memref<200x4xi32, #tpu.memory_space<vmem>> -> memref<1x4xi32, #tpu.memory_space<vmem>>
        %dma_wait3A_289 = tpu.memref_squeeze %dma_wait3A_288 : memref<1x4xi32, #tpu.memory_space<vmem>> -> memref<4xi32, #tpu.memory_space<vmem>>
        %dma_wait3A_290 = arith.constant 0 : i32
        %dma_wait3A_291 = arith.constant 0 : i32
        %dma_wait3A_292 = tpu.memref_slice %arg5[%dma_wait3A_290, %dma_wait3A_291] : memref<819200x64xf32, #tpu.memory_space<hbm>> -> memref<819200x64xf32, #tpu.memory_space<hbm>>
        tpu.wait_indirect_dma semaphore(%arg17 : memref<!tpu.dma_semaphore, #tpu.memory_space<semaphore_mem>>) src(%arg14 : memref<4x64xf32, #tpu.memory_space<vmem>>) dst(%dma_wait3A_292 : memref<819200x64xf32, #tpu.memory_space<hbm>>)
      }
    }
    %scan3A_71 = arith.constant 32 : i32
    "tpu.region"() ({
      %run_scoped3A = tpu.sem_alloc : memref<!tpu.dma_semaphore, #tpu.memory_space<semaphore_mem>>
      %dma_start3A = arith.constant 0 : i32
      %dma_start3A_84 = tpu.memref_slice %arg6[%dma_start3A] : memref<800xi32, #tpu.memory_space<vmem>> -> memref<16xi32, #tpu.memory_space<vmem>>
      %dma_start3A_85 = tpu.memref_slice %arg2[%mul3A_2] : memref<819200xi32, #tpu.memory_space<hbm>> -> memref<16xi32, #tpu.memory_space<hbm>>
      %dma_start3A_86 = arith.constant 0 : i32
      %dma_start3A_87 = tpu.memref_slice %arg6[%dma_start3A_86] : memref<800xi32, #tpu.memory_space<vmem>> -> memref<16xi32, #tpu.memory_space<vmem>>
      %dma_start3A_88 = tpu.memref_slice %arg2[%mul3A_2] : memref<819200xi32, #tpu.memory_space<hbm>> -> memref<16xi32, #tpu.memory_space<hbm>>
      tpu.enqueue_dma source(%dma_start3A_88 : memref<16xi32, #tpu.memory_space<hbm>>) target(%dma_start3A_87 : memref<16xi32, #tpu.memory_space<vmem>>) target_semaphore(%run_scoped3A : memref<!tpu.dma_semaphore, #tpu.memory_space<semaphore_mem>>)
      %dma_wait3A = arith.constant 0 : i32
      %dma_wait3A_89 = tpu.memref_slice %arg6[%dma_wait3A] : memref<800xi32, #tpu.memory_space<vmem>> -> memref<16xi32, #tpu.memory_space<vmem>>
      %dma_wait3A_90 = tpu.memref_slice %arg2[%mul3A_2] : memref<819200xi32, #tpu.memory_space<hbm>> -> memref<16xi32, #tpu.memory_space<hbm>>
      %dma_wait3A_91 = arith.constant 0 : i32
      %dma_wait3A_92 = tpu.memref_slice %arg6[%dma_wait3A_91] : memref<800xi32, #tpu.memory_space<vmem>> -> memref<16xi32, #tpu.memory_space<vmem>>
      %dma_wait3A_93 = tpu.memref_slice %arg2[%mul3A_2] : memref<819200xi32, #tpu.memory_space<hbm>> -> memref<16xi32, #tpu.memory_space<hbm>>
      tpu.wait_dma2 semaphore(%run_scoped3A : memref<!tpu.dma_semaphore, #tpu.memory_space<semaphore_mem>>) src(%dma_wait3A_93 : memref<16xi32, #tpu.memory_space<hbm>>) dst(%dma_wait3A_92 : memref<16xi32, #tpu.memory_space<vmem>>)
      tpu.yield
    }) : () -> ()
    %get3A = arith.constant 0 : index
    %get3A_72 = tpu.vector_load %arg6[%get3A] {strides = array<i32>} : memref<800xi32, #tpu.memory_space<vmem>>, vector<16xi32>,
    %slice3A = vector.extract_strided_slice %get3A_72 {offsets = [0], sizes = [1], strides = [1]} : vector<16xi32> to vector<1xi32>
    %squeeze3A = vector.extract %slice3A[0] : i32 from vector<1xi32>
    %eq3A = arith.constant 0 : i32
    %eq3A_73 = arith.cmpi eq, %squeeze3A, %eq3A : i32
    %convert_element_type3A = arith.extui %eq3A_73 : i1 to i32
    %cond3A = arith.constant 0 : i32
    %cond3A_74 = arith.cmpi ne, %convert_element_type3A, %cond3A : i32
    scf.if %cond3A_74 {
      "tpu.region"() ({
        %run_scoped3A = tpu.sem_alloc : memref<!tpu.dma_semaphore, #tpu.memory_space<semaphore_mem>>
        %dma_start3A = arith.constant 0 : i32
        %dma_start3A_84 = arith.constant 0 : i32
        %dma_start3A_85 = tpu.memref_slice %arg14[%dma_start3A, %dma_start3A_84] : memref<4x64xf32, #tpu.memory_space<vmem>> -> memref<1x64xf32, #tpu.memory_space<vmem>>
        %dma_start3A_86 = arith.constant 0 : i32
        %dma_start3A_87 = tpu.memref_slice %arg5[%mul3A_2, %dma_start3A_86] : memref<819200x64xf32, #tpu.memory_space<hbm>> -> memref<1x64xf32, #tpu.memory_space<hbm>>
        %dma_start3A_88 = arith.constant 0 : i32
        %dma_start3A_89 = tpu.memref_slice %arg5[%mul3A_2, %dma_start3A_88] : memref<819200x64xf32, #tpu.memory_space<hbm>> -> memref<1x64xf32, #tpu.memory_space<hbm>>
        %dma_start3A_90 = arith.constant 0 : i32
        %dma_start3A_91 = arith.constant 0 : i32
        %dma_start3A_92 = tpu.memref_slice %arg14[%dma_start3A_90, %dma_start3A_91] : memref<4x64xf32, #tpu.memory_space<vmem>> -> memref<1x64xf32, #tpu.memory_space<vmem>>
        tpu.enqueue_dma source(%dma_start3A_92 : memref<1x64xf32, #tpu.memory_space<vmem>>) target(%dma_start3A_89 : memref<1x64xf32, #tpu.memory_space<hbm>>) target_semaphore(%run_scoped3A : memref<!tpu.dma_semaphore, #tpu.memory_space<semaphore_mem>>)
        %dma_wait3A = arith.constant 0 : i32
        %dma_wait3A_93 = arith.constant 0 : i32
        %dma_wait3A_94 = tpu.memref_slice %arg14[%dma_wait3A, %dma_wait3A_93] : memref<4x64xf32, #tpu.memory_space<vmem>> -> memref<1x64xf32, #tpu.memory_space<vmem>>
        %dma_wait3A_95 = arith.constant 0 : i32
        %dma_wait3A_96 = tpu.memref_slice %arg5[%mul3A_2, %dma_wait3A_95] : memref<819200x64xf32, #tpu.memory_space<hbm>> -> memref<1x64xf32, #tpu.memory_space<hbm>>
        %dma_wait3A_97 = arith.constant 0 : i32
        %dma_wait3A_98 = tpu.memref_slice %arg5[%mul3A_2, %dma_wait3A_97] : memref<819200x64xf32, #tpu.memory_space<hbm>> -> memref<1x64xf32, #tpu.memory_space<hbm>>
        %dma_wait3A_99 = arith.constant 0 : i32
        %dma_wait3A_100 = arith.constant 0 : i32
        %dma_wait3A_101 = tpu.memref_slice %arg14[%dma_wait3A_99, %dma_wait3A_100] : memref<4x64xf32, #tpu.memory_space<vmem>> -> memref<1x64xf32, #tpu.memory_space<vmem>>
        tpu.wait_dma2 semaphore(%run_scoped3A : memref<!tpu.dma_semaphore, #tpu.memory_space<semaphore_mem>>) src(%dma_wait3A_101 : memref<1x64xf32, #tpu.memory_space<vmem>>) dst(%dma_wait3A_98 : memref<1x64xf32, #tpu.memory_space<hbm>>)
        tpu.yield
      }) : () -> ()
    } else {
    }
    %ge3A = arith.constant 1 : i32
    %ge3A_75 = arith.cmpi sge, %squeeze3A, %ge3A : i32
    %le3A = arith.constant 500000 : i32
    %le3A_76 = arith.cmpi sle, %squeeze3A, %le3A : i32
    %and3A = arith.andi %ge3A_75, %le3A_76 : i1
    %convert_element_type3A_77 = arith.extui %and3A : i1 to i32
    %cond3A_78 = arith.constant 0 : i32
    %cond3A_79 = arith.cmpi ne, %convert_element_type3A_77, %cond3A_78 : i32
    scf.if %cond3A_79 {
      %sub3A = arith.constant 1 : i32
      %sub3A_84 = arith.subi %squeeze3A, %sub3A : i32
      "tpu.region"() ({
        %run_scoped3A = tpu.sem_alloc : memref<!tpu.dma_semaphore, #tpu.memory_space<semaphore_mem>>
        %dma_start3A = arith.constant 0 : i32
        %dma_start3A_85 = tpu.memref_slice %arg3[%sub3A_84, %dma_start3A] : memref<500000x64xf32, #tpu.memory_space<hbm>> -> memref<1x64xf32, #tpu.memory_space<hbm>>
        %dma_start3A_86 = arith.constant 0 : i32
        %dma_start3A_87 = tpu.memref_slice %arg3[%sub3A_84, %dma_start3A_86] : memref<500000x64xf32, #tpu.memory_space<hbm>> -> memref<1x64xf32, #tpu.memory_space<hbm>>
        tpu.enqueue_dma source(%dma_start3A_87 : memref<1x64xf32, #tpu.memory_space<hbm>>) target(%arg15 : memref<1x64xf32, #tpu.memory_space<vmem>>) target_semaphore(%run_scoped3A : memref<!tpu.dma_semaphore, #tpu.memory_space<semaphore_mem>>)
        %dma_wait3A = arith.constant 0 : i32
        %dma_wait3A_88 = tpu.memref_slice %arg3[%sub3A_84, %dma_wait3A] : memref<500000x64xf32, #tpu.memory_space<hbm>> -> memref<1x64xf32, #tpu.memory_space<hbm>>
        %dma_wait3A_89 = arith.constant 0 : i32
        %dma_wait3A_90 = tpu.memref_slice %arg3[%sub3A_84, %dma_wait3A_89] : memref<500000x64xf32, #tpu.memory_space<hbm>> -> memref<1x64xf32, #tpu.memory_space<hbm>>
        tpu.wait_dma2 semaphore(%run_scoped3A : memref<!tpu.dma_semaphore, #tpu.memory_space<semaphore_mem>>) src(%dma_wait3A_90 : memref<1x64xf32, #tpu.memory_space<hbm>>) dst(%arg15 : memref<1x64xf32, #tpu.memory_space<vmem>>)
        tpu.yield
      }) : () -> ()
      "tpu.region"() ({
        %run_scoped3A = tpu.sem_alloc : memref<!tpu.dma_semaphore, #tpu.memory_space<semaphore_mem>>
        %dma_start3A = arith.constant 0 : i32
        %dma_start3A_85 = tpu.memref_slice %arg5[%mul3A_2, %dma_start3A] : memref<819200x64xf32, #tpu.memory_space<hbm>> -> memref<1x64xf32, #tpu.memory_space<hbm>>
        %dma_start3A_86 = arith.constant 0 : i32
        %dma_start3A_87 = tpu.memref_slice %arg5[%mul3A_2, %dma_start3A_86] : memref<819200x64xf32, #tpu.memory_space<hbm>> -> memref<1x64xf32, #tpu.memory_space<hbm>>
        tpu.enqueue_dma source(%arg15 : memref<1x64xf32, #tpu.memory_space<vmem>>) target(%dma_start3A_87 : memref<1x64xf32, #tpu.memory_space<hbm>>) target_semaphore(%run_scoped3A : memref<!tpu.dma_semaphore, #tpu.memory_space<semaphore_mem>>)
        %dma_wait3A = arith.constant 0 : i32
        %dma_wait3A_88 = tpu.memref_slice %arg5[%mul3A_2, %dma_wait3A] : memref<819200x64xf32, #tpu.memory_space<hbm>> -> memref<1x64xf32, #tpu.memory_space<hbm>>
        %dma_wait3A_89 = arith.constant 0 : i32
        %dma_wait3A_90 = tpu.memref_slice %arg5[%mul3A_2, %dma_wait3A_89] : memref<819200x64xf32, #tpu.memory_space<hbm>> -> memref<1x64xf32, #tpu.memory_space<hbm>>
        tpu.wait_dma2 semaphore(%run_scoped3A : memref<!tpu.dma_semaphore, #tpu.memory_space<semaphore_mem>>) src(%arg15 : memref<1x64xf32, #tpu.memory_space<vmem>>) dst(%dma_wait3A_90 : memref<1x64xf32, #tpu.memory_space<hbm>>)
        tpu.yield
      }) : () -> ()
    } else {
    }
    %gt3A = arith.constant 500000 : i32
    %gt3A_80 = arith.cmpi sgt, %squeeze3A, %gt3A : i32
    %convert_element_type3A_81 = arith.extui %gt3A_80 : i1 to i32
    %cond3A_82 = arith.constant 0 : i32
    %cond3A_83 = arith.cmpi ne, %convert_element_type3A_81, %cond3A_82 : i32
    scf.if %cond3A_83 {
      %sub3A = arith.constant 500000 : i32
      %sub3A_84 = arith.subi %squeeze3A, %sub3A : i32
      %sub3A_85 = arith.constant 1 : i32
      %sub3A_86 = arith.subi %sub3A_84, %sub3A_85 : i32
      "tpu.region"() ({
        %run_scoped3A = tpu.sem_alloc : memref<!tpu.dma_semaphore, #tpu.memory_space<semaphore_mem>>
        %dma_start3A = arith.constant 0 : i32
        %dma_start3A_87 = tpu.memref_slice %arg4[%sub3A_86, %dma_start3A] : memref<500000x64xf32, #tpu.memory_space<hbm>> -> memref<1x64xf32, #tpu.memory_space<hbm>>
        %dma_start3A_88 = arith.constant 0 : i32
        %dma_start3A_89 = tpu.memref_slice %arg4[%sub3A_86, %dma_start3A_88] : memref<500000x64xf32, #tpu.memory_space<hbm>> -> memref<1x64xf32, #tpu.memory_space<hbm>>
        tpu.enqueue_dma source(%dma_start3A_89 : memref<1x64xf32, #tpu.memory_space<hbm>>) target(%arg15 : memref<1x64xf32, #tpu.memory_space<vmem>>) target_semaphore(%run_scoped3A : memref<!tpu.dma_semaphore, #tpu.memory_space<semaphore_mem>>)
        %dma_wait3A = arith.constant 0 : i32
        %dma_wait3A_90 = tpu.memref_slice %arg4[%sub3A_86, %dma_wait3A] : memref<500000x64xf32, #tpu.memory_space<hbm>> -> memref<1x64xf32, #tpu.memory_space<hbm>>
        %dma_wait3A_91 = arith.constant 0 : i32
        %dma_wait3A_92 = tpu.memref_slice %arg4[%sub3A_86, %dma_wait3A_91] : memref<500000x64xf32, #tpu.memory_space<hbm>> -> memref<1x64xf32, #tpu.memory_space<hbm>>
        tpu.wait_dma2 semaphore(%run_scoped3A : memref<!tpu.dma_semaphore, #tpu.memory_space<semaphore_mem>>) src(%dma_wait3A_92 : memref<1x64xf32, #tpu.memory_space<hbm>>) dst(%arg15 : memref<1x64xf32, #tpu.memory_space<vmem>>)
        tpu.yield
      }) : () -> ()
      "tpu.region"() ({
        %run_scoped3A = tpu.sem_alloc : memref<!tpu.dma_semaphore, #tpu.memory_space<semaphore_mem>>
        %dma_start3A = arith.constant 0 : i32
        %dma_start3A_87 = tpu.memref_slice %arg5[%mul3A_2, %dma_start3A] : memref<819200x64xf32, #tpu.memory_space<hbm>> -> memref<1x64xf32, #tpu.memory_space<hbm>>
        %dma_start3A_88 = arith.constant 0 : i32
        %dma_start3A_89 = tpu.memref_slice %arg5[%mul3A_2, %dma_start3A_88] : memref<819200x64xf32, #tpu.memory_space<hbm>> -> memref<1x64xf32, #tpu.memory_space<hbm>>
        tpu.enqueue_dma source(%arg15 : memref<1x64xf32, #tpu.memory_space<vmem>>) target(%dma_start3A_89 : memref<1x64xf32, #tpu.memory_space<hbm>>) target_semaphore(%run_scoped3A : memref<!tpu.dma_semaphore, #tpu.memory_space<semaphore_mem>>)
        %dma_wait3A = arith.constant 0 : i32
        %dma_wait3A_90 = tpu.memref_slice %arg5[%mul3A_2, %dma_wait3A] : memref<819200x64xf32, #tpu.memory_space<hbm>> -> memref<1x64xf32, #tpu.memory_space<hbm>>
        %dma_wait3A_91 = arith.constant 0 : i32
        %dma_wait3A_92 = tpu.memref_slice %arg5[%mul3A_2, %dma_wait3A_91] : memref<819200x64xf32, #tpu.memory_space<hbm>> -> memref<1x64xf32, #tpu.memory_space<hbm>>
        tpu.wait_dma2 semaphore(%run_scoped3A : memref<!tpu.dma_semaphore, #tpu.memory_space<semaphore_mem>>) src(%arg15 : memref<1x64xf32, #tpu.memory_space<vmem>>) dst(%dma_wait3A_92 : memref<1x64xf32, #tpu.memory_space<hbm>>)
        tpu.yield
      }) : () -> ()
    } else {
    }
    return
  }
}

</mosaic_0001>

<sc_bundles>
// kernel: kernel.3.cloned.1.call-start
scs
__scs_entry_jumppad:
0x0: {  	(pc) =	sbr.rel $0x88, $3  }
0x1: {  	(tag) =	ssettag $0x0;
	lr =	simm.s32 $0x1  }
0x2: {  	[smem:$0x3F9E] =	sst lr;
	_ =	strace $0xD0000000  }
0x3: {  	_ = 	snop  }
0x4: {  	_ = 	snop  }
0x5: {  	_ = 	snop  }
0x6: {  	_ = 	snop  }
0x7: {  	_ = 	snop  }
__scs_overlays_trampoline_lowered:
0x8: {  	[smem:$0x3FAD] =	sst s0  }
0x9: {  	[smem:$0x3FAE] =	sst s1  }
0xa: {  	[smem:$0x3FAF] =	sst s2  }
0xb: {  	[smem:$0x3FB0] =	sst s3  }
0xc: {  	[smem:$0x3FB1] =	sst s4  }
0xd: {  	[smem:$0x3FB2] =	sst s5  }
0xe: {  	[smem:$0x3FB3] =	sst s6  }
0xf: {  	[smem:$0x3FB4] =	sst s7  }
0x10: {  	[smem:$0x3FB5] =	sst s8  }
0x11: {  	[smem:$0x3FB6] =	sst s9;
	s0 =	simm.s32 @!p0 $0x0  }
0x12: {  	s1 =	sld [smem:$0x3F9C];
	s0 =	simm.s32 @p0 $0x1  }
0x13: {  	[smem:$0x3FB7] =	sst s0;
	s0 =	simm.s32 @!p1 $0x0  }
0x14: {  	s2 =	sld [smem:$0x3F9B];
	s0 =	simm.s32 @p1 $0x1  }
0x15: {  	[smem:$0x3FB8] =	sst s0;
	s0 =	simm.s32 @!p2 $0x0  }
0x16: {  	s3 =	sld [smem:$0x3FDB];
	s0 =	simm.s32 @p2 $0x1  }
0x17: {  	s4 =	simm.s32 $0x1BF5;
	[smem:$0x3FBA] =	sst s0  }
0x18: {  	s0 =	sld [smem:$0x3F9D];
	_ =	swait.ge [sflag:s4], $0x0  }
0x19: {  	s7 =	sld [smem:$0x3F9E]  }
0x1a: {  	s8 =	sadd.s32 $0xFFFFE003, lr  }
0x1b: {  	s9 =	sadd.s32 $0xFFFFFEF7, lr;
	s5 =	simm.s32 $0xFFFFFFFF;
	p2 =	slt.u32 s8, $0xFFFFF086  }
0x1c: {  	p1 =	slt.u32 s9, $0xF7A;
	s5 =	simm.s32 @!p2 $0x0  }
0x1d: {  	s5 =	simm.s32 @p1 $0x1;
	p0 =	seq.s32 s7, s2  }
0x1e: {  	s7 =	smul.u32 @!p0 $0xF7A, s2;
	p2 =	seq.s32 @!p0 s5, $0x0  }
0x1f: {  	s9 =	smul.u32 $0xF7A, s1;
	s8 =	simm.s32 @!p0 $0x1BF5;
	p2 =	por !p2, p0  }
0x20: {  	[sflag:s8] =	ssyncset.s32 @!p0 $0xFFFFF086;
	s6 =	sadd.s32 @!p0 s3, s7;
	s7 =	simm.s32 @!p0 $0x108  }
0x21: {  	s3 =	sadd.s32 s3, s9;
	s6 =	sadd.s32 @!p0 $0x88, s6;
	s7 =	simm.s32 @p2 $0x1082  }
0x22: {  	[simem:s7], [sflag:s8] =	dma.local @!p0 [hbm:s6], $0xF7A  }
0x23: {  	s9 =	sor.u32 $0xD0000000, s2;
	s6 =	simm.s32 $0x108;
	_ =	swait.ge @!p0 [sflag:s8], $0x0  }
0x24: {  	s3 =	sadd.s32 $0x88, s3;
	s6 =	simm.s32 @!p1 $0x1082;
	[sflag:s4] =	ssyncset.s32 $0xFFFFF086  }
0x25: {  	[simem:s6], [sflag:s4] =	dma.local [hbm:s3], $0xF7A  }
0x26: {  	[smem:$0x3F9E] =	sst s1;
	(tag) =	ssettag s2;
	_ =	strace s9  }
0x27: {  	s1 =	sld [smem:$0x3FAE]  }
0x28: {  	s2 =	sld [smem:$0x3FAF]  }
0x29: {  	s4 =	sld [smem:$0x3FB1]  }
0x2a: {  	p0 =	seq.s32 s5, $0x0;
	s5 =	sld [smem:$0x3FB2]  }
0x2b: {  	s6 =	sld [smem:$0x3FB3]  }
0x2c: {  	s7 =	sld [smem:$0x3FB4]  }
0x2d: {  	s3 =	simm.s32 $0x108;
	s8 =	sld [smem:$0x3FB5]  }
0x2e: {  	s3 =	simm.s32 @!p0 $0x1082;
	s9 =	sld [smem:$0x3FB6]  }
0x2f: {  	lr =	sadd.s32 s0, s3;
	s0 =	sld [smem:$0x3FAD]  }
0x30: {  	s3 =	sld [smem:$0x3FB0]  }
0x31: {  	[smem:$0x3FB9] =	sst s10  }
0x32: {  	s10 =	sld [smem:$0x3FB7];
	_ =	sdelay $0x3  }
0x33: {  	p0 =	seq.s32 s10, $0x1;
	s10 =	sld [smem:$0x3FB9];
	_ =	sdelay $0x3  }
0x34: {  	[smem:$0x3FB9] =	sst s10  }
0x35: {  	s10 =	sld [smem:$0x3FB8];
	_ =	sdelay $0x3  }
0x36: {  	p1 =	seq.s32 s10, $0x1;
	s10 =	sld [smem:$0x3FB9];
	_ =	sdelay $0x3  }
0x37: {  	[smem:$0x3FB9] =	sst s10  }
0x38: {  	s10 =	sld [smem:$0x3FBA]  }
0x39: {  	_ = 	snop;
	(pc) =	sbr.ind lr, $3  }
0x3a: {  	_ = 	snop  }
0x3b: {  	_ = 	snop  }
0x3c: {  	p2 =	seq.s32 s10, $0x1;
	s10 =	sld [smem:$0x3FB9]  }
0x3d: {  	_ =	shalt  }
0x3e: {  	_ =	shalt  }
0x3f: {  	_ =	shalt  }
0x40: {  	_ =	shalt  }
0x41: {  	_ =	shalt  }
0x42: {  	_ =	shalt  }
0x43: {  	_ =	shalt  }
0x44: {  	_ =	shalt  }
0x45: {  	_ =	shalt  }
0x46: {  	_ =	shalt  }
0x47: {  	_ =	shalt  }
0x48: {  	_ =	shalt  }
0x49: {  	_ =	shalt  }
0x4a: {  	_ =	shalt  }
0x4b: {  	_ =	shalt  }
0x4c: {  	_ =	shalt  }
0x4d: {  	_ =	shalt  }
0x4e: {  	_ =	shalt  }
0x4f: {  	_ =	shalt  }
0x50: {  	_ =	shalt  }
0x51: {  	_ =	shalt  }
0x52: {  	_ =	shalt  }
0x53: {  	_ =	shalt  }
0x54: {  	_ =	shalt  }
0x55: {  	_ =	shalt  }
0x56: {  	_ =	shalt  }
0x57: {  	_ =	shalt  }
0x58: {  	_ =	shalt  }
0x59: {  	_ =	shalt  }
0x5a: {  	_ =	shalt  }
0x5b: {  	_ =	shalt  }
0x5c: {  	_ =	shalt  }
0x5d: {  	_ =	shalt  }
0x5e: {  	_ =	shalt  }
0x5f: {  	_ =	shalt  }
0x60: {  	_ =	shalt  }
0x61: {  	_ =	shalt  }
0x62: {  	_ =	shalt  }
0x63: {  	_ =	shalt  }
0x64: {  	_ =	shalt  }
0x65: {  	_ =	shalt  }
0x66: {  	_ =	shalt  }
0x67: {  	_ =	shalt  }
0x68: {  	_ =	shalt  }
0x69: {  	_ =	shalt  }
0x6a: {  	_ =	shalt  }
0x6b: {  	_ =	shalt  }
0x6c: {  	_ =	shalt  }
0x6d: {  	_ =	shalt  }
0x6e: {  	_ =	shalt  }
0x6f: {  	_ =	shalt  }
0x70: {  	_ =	shalt  }
0x71: {  	_ =	shalt  }
0x72: {  	_ =	shalt  }
0x73: {  	_ =	shalt  }
0x74: {  	_ =	shalt  }
0x75: {  	_ =	shalt  }
0x76: {  	_ =	shalt  }
0x77: {  	_ =	shalt  }
0x78: {  	_ =	shalt  }
0x79: {  	_ =	shalt  }
0x7a: {  	_ =	shalt  }
0x7b: {  	_ =	shalt  }
0x7c: {  	_ =	shalt  }
0x7d: {  	_ =	shalt  }
0x7e: {  	_ =	shalt  }
0x7f: {  	_ =	shalt  }
0x80: {  	_ =	shalt  }
0x81: {  	_ =	shalt  }
0x82: {  	_ =	shalt  }
0x83: {  	_ =	shalt  }
0x84: {  	_ =	shalt  }
0x85: {  	_ =	shalt  }
0x86: {  	_ =	shalt  }
0x87: {  	_ =	shalt  }
.Lfunc_end0:
.L_simem_size_0:
called_computation.1_lowered:
.L_overlay_start_0:
0x88: {  	s2 =	sld [smem:$0x3FD9]  }
0x89: {  	s3 =	sld [smem:$0x3FFE];
	_ =	sdelay $0x1  }
0x8a: {  	s1 =	srdreg.scid  }
0x8b: {  	s0 =	sand.u32 $0x1, s1  }
0x8c: {  	s17 =	sshll.u32 s0, $0xA;
	s2 =	sadd.s32 s3, s2  }
0x8d: {  	s2 =	sadd.s32 s2, s17  }
0x8e: {  	[smem:$0x3FC5] =	sst s2  }
0x8f: {  	_ = 	snop  }
0x90: {  	s2 =	sld [smem:$0x3FD0];
	(tm) =	ssettm $0x1  }
0x91: {  	s18 =	sld [smem:$0x3FFB];
	_ =	sdelay $0x3  }
0x92: {  	_ =	strace s18  }
0x93: {  	s3 =	sld [smem:$0x3FFC];
	_ =	sdelay $0x3  }
0x94: {  	_ =	strace s3  }
0x95: {  	s3 =	sld [smem:$0x3FFD];
	_ =	sdelay $0x3  }
0x96: {  	_ =	strace s3  }
0x97: {  	_ =	strace $0x8FFFFFFF  }
0x98: {  	s19 =	sld [smem:$0x3FDB];
	_ =	sdelay $0x1  }
0x99: {  	s4 =	simm.s32 $_scs_section_size  }
0x9a: {  	s5 =	simm.s32 $_size__tile_overlayer_lowered;
	s6 =	simm.s32 $_tile_overlayer_lowered  }
0x9b: {  	s22 =	simm.s32 $0x1BFF;
	s21 =	sshll.u32 s6, $0x1;
	s3 =	sadd.s32 s4, s19  }
0x9c: {  	s7 =	simm.s32 $0x0;
	s20 =	sshll.u32 s5, $0x1;
	s5 =	sadd.s32 s21, s3  }
0x9d: {  	[timem:s7], [sflag:s22] =	dma.local [hbm:s5], s20  }
0x9e: {  	_ =	swait.ge [sflag:s22], s20  }
0x9f: {  	s4 =	ssub.s32 $0x0, s20;
	[sflag:s22] =	ssyncset.done $0x0  }
0xa0: {  	[sflag:s22] =	ssyncadd.s32 s4;
	_ =	sdelay $0x1  }
0xa1: {  	s23 =	simm.s32 $0x1B8B  }
0xa2: {  	_ =	swait.ge [sflag:s23], $0x1  }
0xa3: {  	[sflag:s23] =	ssyncset.done $0x0  }
0xa4: {  	s25 =	simm.s32 $0x1B8E;
	s24 =	sld [smem:$0x3FFE];
	[sflag:s23] =	ssyncadd.s32 $0xFFFFFFFF  }
0xa5: {  	s26 =	simm.s32 $execute0_lowered;
	[smem:$0x3FD2] =	sst s25  }
0xa6: {  	s5 =	sshll.u32 s26, $0x1;
	_ =	strace $0x80000046;
	[dreg:$0x1] =	wrdreg $0xFFFFFFFF  }
0xa7: {  	s28 =	simm.s32 $_size_execute0_lowered;
	s3 =	sadd.s32 s3, s5;
	[dreg:$0x0] =	wrdreg $0x0  }
0xa8: {  	s5 =	sshll.u32 s28, $0x1;
	[dreg:$0x2] =	wrdreg s3  }
0xa9: {  	[dreg:$0x3] =	wrdreg s5  }
0xaa: {  	[dreg:$0x4] =	wrdreg $0xC0  }
0xab: {  	_ =	task [dreg:s7], $0x5FFFF  }
0xac: {  	[dreg:$0x1] =	wrdreg $0xFFFFFFFF  }
0xad: {  	[dreg:$0x0] =	wrdreg $0x60  }
0xae: {  	[dreg:$0x2] =	wrdreg s24  }
0xaf: {  	[dreg:$0x3] =	wrdreg s2  }
0xb0: {  	[dreg:$0x4] =	wrdreg $0x9  }
0xb1: {  	_ =	task.clear_ibuf [dreg:s7], $0x5FFFF;
	_ =	strace $0x90000046  }
0xb2: {  	s29 =	simm.s32 $0x9;
	_ =	strace $0x80000048  }
0xb3: {  	_ =	swait.ge [sflag:s29], $0x1  }
0xb4: {  	[sflag:s29] =	ssyncadd.s32 $0xFFFFFFFF  }
0xb5: {  	_ =	strace $0x90000048  }
0xb6: {  	_ =	sfence  }
0xb7: {  	s30 =	sld [smem:$0x0];
	_ =	sdelay $0x2  }
0xb8: {  	s31 =	sshll.u32 s1, $0xD;
	s1 =	sshrl.u32 s1, $0x2  }
0xb9: {  	s3 =	sand.u32 $0x4000, s31;
	s1 =	sadd.s32 s1, s30  }
0xba: {  	s0 =	sor.u32 s3, s0;
	s1 =	sshll.u32 s1, $0x11  }
0xbb: {  	s0 =	sor.u32 s1, s0  }
0xbc: {  	s0 =	sadd.s32 $0x8F2B, s0  }
0xbd: {  	[sflag:s0] =	ssyncadd.remote.s32 $0x1  }
0xbe: {  	_ =	sfence.sel $0xFFFF  }
0xbf: {  	[dreg:$0x0] =	wrdreg $0xFFFFFFFF;
	(pc) =	sbr.abs _section_cstart, $3  }
0xc0: {  	[dreg:$0x1] =	wrdreg $0xFFFFFFFF  }
0xc1: {  	_ =	task.clear_ibuf [dreg:s7], $0x2FFFF;
	_ =	strace $0x9FFFFFFF  }
0xc2: {  	(tm) =	ssettm $0x7FFFFFFF  }
0xc3: {  	_ =	shalt  }
tec
execute0_lowered:
.L_overlay_start_1:
0x0: {  	(tag) =	ssettag $0x1  }
0x1: {  	s0 =	rddreg [dreg:$0x0]  }
0x2: {  	s2 =	rddreg [dreg:$0x1]  }
0x3: {  	s1 =	srdreg.scid;
	s3 =	stileid.u32;
	s5 =	simm.s32 $0x0  }
0x4: {  	s12 =	simm.s32 $0x3;
	s13 =	simm.s32 $0x320;
	s14 =	simm.s32 $0x960  }
0x5: {  	s15 =	simm.s32 $0xFA0;
	s16 =	simm.s32 $0x15E0;
	s17 =	simm.s32 $0x1C20  }
0x6: {  	s18 =	simm.s32 $0x4;
	s19 =	simm.s32 $0x1;
	s20 =	simm.s32 $0x1B260  }
0x7: {  	s1 =	sand.u32 $0x1, s1;
	s4 =	sshll.u32 s3, $0x1;
	s11 =	smul.u32 $0xC800, s3  }
0x8: {  	s7 =	sor.u32 s1, s4;
	s8 =	ssub.s32 $0x2, s1;
	s1 =	smul.u32 $0x6400, s1  }
0x9: {  	s21 =	simm.s32 $0x2;
	[smem:$0x7FF] =	sst s5;
	s5 =	smul.u32 $0x6400, s7  }
.Ltmp0:
0xa: {  	s22 =	simm.s32 $0x0;
	s6 =	sadd.s32 $0x7BAA00, s0;
	(pc) =	sbr.rel .LBB2_1-.Ltmp0, $4  }
0xb: {  	_ =	strace $0x80000047;
	s9 =	smul.u32 $0x32000, s7;
	s29 =	sshrl.u32 s8, $0x1  }
0xc: {  	s4 =	sadd.s32 $0x800, s0;
	s7 =	sadd.s32 $0xB8B400, s0;
	s0 =	ssub.s32 s8, s29  }
0xd: {  	s11 =	sadd.s32 s1, s11;
	s30 =	sshrl.u32 s5, $0x3;
	s31 =	sadd.s32 s2, s9  }
0xe: {  	v0 =	vimm.f32 $0.0e+00;
	v1 =	vlaneseq.u32;
	v2 =	vimm.s32 $0x0;
	s10 =	smax.u32 s0, $0x1;
	s8 =	sadd.s32 s4, s30;
	[dreg:$0x3] =	wrdreg s31  }
.LBB2_25:
0xf: {  	s0 =	simm.s32 $0x1B260  }
.LBB2_44:
0x10: {  	s1 =	rddreg [dreg:$0x3]  }
0x11: {  	[hbm4b:s1+s9] =	stream.linear.scatter [tilespmem:s0], [sflag:$0x3], $0x40, $0x38;
	[tilespmem:$0x1B3A0] =	vst v63  }
0x12: {  	_ =	swait.ge [sflag:s12], $0x40  }
0x13: {  	[sflag:s12] =	ssyncset.done $0x0  }
0x14: {  	[sflag:s12] =	ssyncadd.s32 $0xFFFFFFC0  }
.LBB2_45:
0x15: {  	s22 =	sadd.s32 $0x1, s22  }
0x16: {  	p0 =	sne.s32 s22, s10  }
.Ltmp1:
0x17: {  	_ = 	snop;
	(pc) =	sbr.rel @!p0 .LBB2_46-.Ltmp1, $1  }
0x18: {  	_ =	sdelay $0x3  }
.LBB2_1:
0x19: {  	[tilespmem:$0x1B260] =	vst v0  }
0x1a: {  	[tilespmem:$0x1B270] =	vst v0  }
0x1b: {  	[tilespmem:$0x1B280] =	vst v0  }
0x1c: {  	[tilespmem:$0x1B290] =	vst v0  }
0x1d: {  	[tilespmem:$0x1B2A0] =	vst v0  }
0x1e: {  	[tilespmem:$0x1B2B0] =	vst v0  }
0x1f: {  	[tilespmem:$0x1B2C0] =	vst v0  }
0x20: {  	[tilespmem:$0x1B2D0] =	vst v0  }
0x21: {  	[tilespmem:$0x1B2E0] =	vst v0  }
0x22: {  	[tilespmem:$0x1B2F0] =	vst v0  }
0x23: {  	[tilespmem:$0x1B300] =	vst v0  }
.Ltmp2:
0x24: {  	[tilespmem:$0x1B310] =	vst v0;
	(pc) =	sbr.rel .LBB2_2-.Ltmp2, $4  }
0x25: {  	[tilespmem:$0x1B320] =	vst v0  }
0x26: {  	[tilespmem:$0x1B330] =	vst v0  }
0x27: {  	[tilespmem:$0x1B340] =	vst v0  }
0x28: {  	[tilespmem:$0x1B350] =	vst v0;
	s23 =	smov.u32 s11;
	s24 =	simm.s32 $0x0  }
.LBB2_22:
0x29: {  	[sflag:s21] =	ssyncadd.s32 $0xFFFFFF00  }
.LBB2_23:
0x2a: {  	s24 =	sadd.s32 $0x1, s24  }
0x2b: {  	p0 =	sne.s32 s24, $0x20  }
.Ltmp3:
0x2c: {  	_ = 	snop;
	(pc) =	sbr.rel @!p0 .LBB2_24-.Ltmp3, $2  }
0x2d: {  	_ =	sdelay $0x2  }
0x2e: {  	s23 =	sadd.s32 $0x320, s23  }
.LBB2_2:
0x2f: {  	s0 =	smul.u32 $0x320, s24;
	_ =	sdelay $0x1  }
0x30: {  	s25 =	sadd.s32 s5, s0  }
0x31: {  	s0 =	sshrl.u32 s25, $0x3  }
0x32: {  	s26 =	simm.s32 $0x0;
	s0 =	sadd.s32 s4, s0  }
0x33: {  	[tilespmem:s26], [sflag:$0x3] =	stream.linear.gather [hbm4b:s0+s26], $0x320, $0x38;
	[tilespmem:$0x1B3A0] =	vst v63  }
0x34: {  	_ =	swait.ge [sflag:s12], $0x320  }
0x35: {  	[sflag:s12] =	ssyncset.done $0x0  }
0x36: {  	s9 =	simm.s32 $0x0;
	[sflag:s12] =	ssyncadd.s32 $0xFFFFFCE0  }
0x37: {  	v3 =	vld [tilespmem:s9+$0x0];
	_ =	sdelay $0x4  }
0x38: {  	v4 =	vadd.s32 $0xFFFFFFFF, v3;
	vm0 =	veq.s32 v3, $0x0  }
0x39: {  	vm2 =	vlt.u32 v4, $0x7A120;
	v5 =	vsel vm0, $0x1, v2  }
0x3a: {  	v6 =	vsel vm2, $0x1, v2;
	(xrf0) =	vadd.scan.msk.s32 $0xffff, v5  }
0x3b: {  	vm1 =	vgt.s32 v3, $0x7A120;
	(xrf0) =	vadd.scan.msk.s32 $0xffff, v6  }
0x3c: {  	v57 =	vsel vm1, $0x1, v2  }
0x3d: {  	(xrf0) =	vadd.scan.msk.s32 $0xffff, v57  }
0x3e: {  	v58 =	vmov s26  }
0x3f: {  	v5 =	vadd.s32 $0xFFFFFFFF, v58  }
0x40: {  	v5 =	vbroadcast v5, $0x0;
	v59, _, _ =	vpop (xrf0)  }
0x41: {  	v7, _, _ =	vpop (xrf0);
	(v2sf) =	vpush v59, $0xF  }
0x42: {  	v8 =	vadd.s32 v7, v5  }
0x43: {  	v9, _, _ =	vpop (xrf0);
	(v2sf) =	vpush v7, $0xF;
	vm3 =	vgt.s32 v8, $0x0  }
0x44: {  	v10 =	vadd.s32 v9, v5;
	(v2sf) =	vpush v9, $0xF;
	v8 =	vnsel vm3, $0x0, v8  }
0x45: {  	v5 =	vadd.s32 v59, v5;
	vm12 =	vgt.s32 v10, $0x0;
	v60 =	vshll.u32 v8, $0x1  }
0x46: {  	v10 =	vnsel vm12, $0x0, v10;
	v8 =	vand.u32 $0x3, v8;
	v6 =	vand.u32 $0xFFFFFFF8, v60  }
0x47: {  	vm13 =	vgt.s32 v5, $0x0;
	v61 =	vshll.u32 v10, $0x1;
	v6 =	vor.u32 v8, v6  }
0x48: {  	v5 =	vnsel vm13, $0x0, v5;
	v10 =	vand.u32 $0x3, v10;
	v8 =	vand.u32 $0xFFFFFFF8, v61  }
0x49: {  	v62 =	vshll.u32 v5, $0x1;
	v8 =	vor.u32 v10, v8  }
0x4a: {  	vm14 =	vlt.s32 v4, $0x7A11F;
	v5 =	vand.u32 $0x3, v5;
	v10 =	vand.u32 $0xFFFFFFF8, v62  }
0x4b: {  	v3 =	vadd.s32 $0xFFF85EDF, v3;
	v4 =	vnsel vm14, $0x7A11F, v4;
	v5 =	vor.u32 v5, v10  }
0x4c: {  	v63 =	vor.u32 s23, v1;
	vm15 =	vlt.s32 v3, $0x7A11F;
	[tilespmem:v6+s13+$0x0] =	vst.idx.msk vm2, v4  }
0x4d: {  	v3 =	vnsel vm15, $0x7A11F, v3;
	[tilespmem:v6+s14+$0x0] =	vst.idx.msk vm2, v63  }
0x4e: {  	[tilespmem:v8+s15+$0x0] =	vst.idx.msk vm1, v3  }
0x4f: {  	s31 =	simm.s32 $0x80;
	s28 =	smov.u32 s23;
	s30 =	simm.s32 $0x0;
	[tilespmem:v8+s16+$0x0] =	vst.idx.msk vm1, v63  }
0x50: {  	s29 =	simm.s32 $0x0;
	s0 =	simm.s32 $0x10;
	[tilespmem:v5+s17+$0x0] =	vst.idx.msk vm0, v63;
	s1 =	spop (v2sf)  }
.LBB2_3:
0x51: {  	s28 =	sadd.s32 $0x10, s28  }
0x52: {  	v3 =	vld [tilespmem:s0+$0x0];
	s3 =	spop (v2sf);
	s0 =	smov.u32 s31;
	s9 =	sadd.s32 $0x40, s31  }
0x53: {  	s30 =	sadd.s32 s30, s1;
	s26 =	sadd.s32 s26, s3;
	s1 =	spop (v2sf)  }
0x54: {  	p0 =	sne.s32 s31, $0xC40;
	v5 =	vmov s30;
	v4 =	vmov s26;
	s29 =	sadd.s32 s29, s1  }
0x55: {  	v5 =	vadd.s32 $0xFFFFFFFF, v5;
	v4 =	vadd.s32 $0xFFFFFFFF, v4;
	v6 =	vmov s29  }
0x56: {  	v6 =	vadd.s32 $0xFFFFFFFF, v6  }
0x57: {  	v7 =	vadd.s32 $0xFFFFFFFF, v3;
	vm1 =	vgt.s32 v3, $0x7A120;
	vm0 =	veq.s32 v3, $0x0  }
0x58: {  	vm2 =	vlt.u32 v7, $0x7A120;
	v8 =	vsel vm1, $0x1, v2;
	v9 =	vsel vm0, $0x1, v2  }
0x59: {  	v3 =	vadd.s32 $0xFFF85EDF, v3;
	vm3 =	vlt.s32 v7, $0x7A11F;
	v10 =	vsel vm2, $0x1, v2;
	(xrf0) =	vadd.scan.msk.s32 $0xffff, v9  }
0x5a: {  	v7 =	vnsel vm3, $0x7A11F, v7;
	vm3 =	vlt.s32 v3, $0x7A11F;
	(xrf0) =	vadd.scan.msk.s32 $0xffff, v10  }
0x5b: {  	v3 =	vnsel vm3, $0x7A11F, v3;
	(xrf0) =	vadd.scan.msk.s32 $0xffff, v8;
	_ =	sdelay $0x2  }
0x5c: {  	v5 =	vbroadcast v5, $0x0  }
0x5d: {  	v4 =	vbroadcast v4, $0x0;
	v8, _, _ =	vpop (xrf0)  }
0x5e: {  	v6 =	vbroadcast v6, $0x0;
	v5 =	vadd.s32 v8, v5;
	v9, _, _ =	vpop (xrf0);
	(v2sf) =	vpush v8, $0xF  }
0x5f: {  	v4 =	vadd.s32 v9, v4;
	vm3 =	vgt.s32 v5, $0x0;
	v8, _, _ =	vpop (xrf0);
	(v2sf) =	vpush v9, $0xF  }
0x60: {  	vm4 =	vgt.s32 v4, $0x0;
	v6 =	vadd.s32 v8, v6;
	(v2sf) =	vpush v8, $0xF  }
0x61: {  	v5 =	vnsel vm3, $0x0, v5;
	v4 =	vnsel vm4, $0x0, v4;
	vm4 =	vgt.s32 v6, $0x0  }
0x62: {  	v9 =	vshll.u32 v5, $0x1;
	v6 =	vnsel vm4, $0x0, v6;
	v8 =	vshll.u32 v4, $0x1  }
0x63: {  	v4 =	vand.u32 $0x3, v4;
	v8 =	vand.u32 $0xFFFFFFF8, v8;
	v10 =	vshll.u32 v6, $0x1  }
0x64: {  	v9 =	vand.u32 $0xFFFFFFF8, v9;
	v4 =	vor.u32 v4, v8;
	v8 =	vand.u32 $0xFFFFFFF8, v10  }
0x65: {  	v6 =	vand.u32 $0x3, v6  }
0x66: {  	v6 =	vor.u32 v6, v8  }
0x67: {  	v5 =	vand.u32 $0x3, v5  }
0x68: {  	v5 =	vor.u32 v5, v9  }
.Ltmp4:
0x69: {  	v8 =	vor.u32 s28, v1;
	[tilespmem:v4+s13+$0x0] =	vst.idx.msk vm2, v7;
	(pc) =	sbr.rel @p0 .LBB2_3-.Ltmp4, $4  }
0x6a: {  	[tilespmem:v4+s14+$0x0] =	vst.idx.msk vm2, v8  }
0x6b: {  	[tilespmem:v6+s15+$0x0] =	vst.idx.msk vm1, v3  }
0x6c: {  	s0 =	sshra.s32 s0, $0x2;
	[tilespmem:v6+s16+$0x0] =	vst.idx.msk vm1, v8  }
0x6d: {  	s31 =	smov.u32 s9;
	[tilespmem:v5+s17+$0x0] =	vst.idx.msk vm0, v8;
	s1 =	spop (v2sf)  }
0x6e: {  	v3 =	vld [tilespmem:s0+$0x0];
	_ =	sdelay $0x4  }
0x6f: {  	v4 =	vadd.s32 $0xFFFFFFFF, v3;
	vm0 =	veq.s32 v3, $0x0  }
0x70: {  	vm2 =	vlt.u32 v4, $0x7A120;
	v5 =	vsel vm0, $0x1, v2  }
0x71: {  	v6 =	vsel vm2, $0x1, v2;
	(xrf0) =	vadd.scan.msk.s32 $0xffff, v5  }
0x72: {  	vm1 =	vgt.s32 v3, $0x7A120;
	(xrf0) =	vadd.scan.msk.s32 $0xffff, v6  }
0x73: {  	v43 =	vsel vm1, $0x1, v2  }
0x74: {  	(xrf0) =	vadd.scan.msk.s32 $0xffff, v43;
	_ =	sdelay $0x2  }
0x75: {  	v44, _, _ =	vpop (xrf0)  }
0x76: {  	v6, _, _ =	vpop (xrf0);
	(v2sf) =	vpush v44, $0xF  }
0x77: {  	(v2sf) =	vpush v6, $0xF  }
0x78: {  	v7, _, _ =	vpop (xrf0)  }
0x79: {  	(v2sf) =	vpush v7, $0xF;
	_ =	sdelay $0x1  }
0x7a: {  	s9 =	spop (v2sf)  }
0x7b: {  	s1 =	sadd.s32 s30, s1;
	s30 =	sadd.s32 $0x10, s28;
	s3 =	spop (v2sf)  }
0x7c: {  	s0 =	sadd.s32 s26, s9;
	v9 =	vmov s1;
	v50 =	vor.u32 s30, v1;
	s3 =	sadd.s32 s29, s3  }
0x7d: {  	v8 =	vmov s0;
	v9 =	vadd.s32 $0xFFFFFFFF, v9;
	v10 =	vmov s3  }
0x7e: {  	v8 =	vadd.s32 $0xFFFFFFFF, v8;
	v9 =	vbroadcast v9, $0x0;
	v10 =	vadd.s32 $0xFFFFFFFF, v10  }
0x7f: {  	v8 =	vbroadcast v8, $0x0;
	v3 =	vadd.s32 $0xFFF85EDF, v3;
	vm3 =	vlt.s32 v4, $0x7A11F  }
0x80: {  	v10 =	vbroadcast v10, $0x0;
	vm8 =	vlt.s32 v3, $0x7A11F;
	v4 =	vnsel vm3, $0x7A11F, v4  }
0x81: {  	v3 =	vnsel vm8, $0x7A11F, v3;
	v5 =	vadd.s32 v44, v9;
	v6 =	vadd.s32 v6, v8  }
0x82: {  	vm4 =	vgt.s32 v5, $0x0;
	vm9 =	vgt.s32 v6, $0x0;
	v7 =	vadd.s32 v7, v10  }
0x83: {  	v5 =	vnsel vm4, $0x0, v5;
	v6 =	vnsel vm9, $0x0, v6;
	vm10 =	vgt.s32 v7, $0x0  }
0x84: {  	v46 =	vshll.u32 v5, $0x1;
	v5 =	vand.u32 $0x3, v5;
	v45 =	vshll.u32 v6, $0x1;
	s9 =	spop (v2sf)  }
0x85: {  	v7 =	vnsel vm10, $0x0, v7;
	v6 =	vand.u32 $0x3, v6;
	v9 =	vand.u32 $0xFFFFFFF8, v46;
	s29 =	spop (v2sf)  }
0x86: {  	v8 =	vand.u32 $0xFFFFFFF8, v45;
	v47 =	vshll.u32 v7, $0x1;
	v7 =	vand.u32 $0x3, v7;
	s29 =	sadd.s32 s0, s29  }
0x87: {  	v5 =	vor.u32 v5, v9;
	v48 =	vand.u32 $0xFFFFFFF8, v47;
	s31 =	spop (v2sf);
	v49 =	vadd.s32 s29, v1;
	s26 =	ssub.s32 $0x0, s29  }
0x88: {  	v6 =	vor.u32 v6, v8;
	v7 =	vor.u32 v7, v48;
	s0 =	sadd.s32 s3, s31;
	vm11 =	vlt.s32 v49, $0x31F;
	s26 =	sand.u32 $0x3, s26  }
0x89: {  	s3 =	ssub.s32 $0x0, s0;
	v12 =	vadd.s32 s0, v1;
	v10 =	vnsel vm11, $0x31F, v49;
	v51 =	vmov s26  }
0x8a: {  	s28 =	sand.u32 $0x3, s3;
	vm13 =	vlt.s32 v12, $0x31F;
	v11 =	vshll.u32 v10, $0x1;
	v10 =	vand.u32 $0x3, v10  }
0x8b: {  	s26 =	sadd.s32 s1, s9;
	vm12 =	vgt.u32 v51, v1;
	v53 =	vmov s28;
	v54 =	vnsel vm13, $0x31F, v12  }
0x8c: {  	v55 =	vadd.s32 s26, v1;
	v11 =	vand.u32 $0xFFFFFFF8, v11;
	vm14 =	vgt.u32 v53, v1  }
0x8d: {  	[tilespmem:v6+s13+$0x0] =	vst.idx.msk vm2, v4;
	s30 =	ssub.s32 $0x0, s26;
	v56 =	vshll.u32 v54, $0x1;
	vm5 =	vlt.s32 v55, $0x31F;
	v52 =	vor.u32 v10, v11  }
0x8e: {  	[tilespmem:v6+s14+$0x0] =	vst.idx.msk vm2, v50;
	v58 =	vand.u32 $0x3, v54;
	s1 =	sand.u32 $0x3, s30;
	v57 =	vnsel vm5, $0x31F, v55;
	v4 =	vand.u32 $0xFFFFFFF8, v56  }
0x8f: {  	[tilespmem:v7+s15+$0x0] =	vst.idx.msk vm1, v3;
	s31 =	sadd.s32 $0x3, s29;
	v59 =	vmov s1;
	v3 =	vor.u32 v58, v4;
	v60 =	vshll.u32 v57, $0x1  }
0x90: {  	p0 =	seq.s32 s24, $0x1F;
	[tilespmem:v7+s16+$0x0] =	vst.idx.msk vm1, v50;
	s3 =	sadd.s32 $0x320, s25;
	s25 =	sshra.s32 s31, $0x2;
	vm15 =	vgt.u32 v59, v1;
	v61 =	vand.u32 $0x3, v57;
	v62 =	vand.u32 $0xFFFFFFF8, v60  }
0x91: {  	[tilespmem:v5+s17+$0x0] =	vst.idx.msk vm0, v50;
	s3 =	smov.u32 @p0 s5;
	p0 =	sgt.s32 s25, $0x0;
	s1 =	simm.s32 $0x320;
	v4 =	vor.u32 v61, v62  }
.Ltmp5:
0x92: {  	v63 =	vmov s3;
	[tilespmem:v52+s1+$0x0] =	vst.idx.msk vm12, v2;
	(pc) =	sbr.rel @!p0 .LBB2_5-.Ltmp5, $4  }
0x93: {  	[tilespmem:v52+s14+$0x0] =	vst.idx.msk vm12, v63  }
0x94: {  	[tilespmem:v3+s15+$0x0] =	vst.idx.msk vm14, v2  }
0x95: {  	[tilespmem:v3+s16+$0x0] =	vst.idx.msk vm14, v63  }
0x96: {  	s9 =	simm.s32 $0x2260;
	[tilespmem:v4+s17+$0x0] =	vst.idx.msk vm15, v63  }
0x97: {  	p1 =	seq.s32 s25, $0x1  }
.Ltmp6:
0x98: {  	_ = 	snop;
	(pc) =	sbr.rel @p1 .LBB2_5-.Ltmp6, $3  }
0x99: {  	_ =	sdelay $0x1  }
0x9a: {  	[tilespmem:s9], [sflag:$0x1] =	stream.indirect.gather [hbm4b:s6+s18], $0x40, s1, s18, $0xb8;
	[tilespmem:$0x1B3A0] =	vst v63  }
0x9b: {  	s28 =	sadd.s32 $0xFFFFFFFF, s25  }
.LBB2_27:
0x9c: {  	p1 =	seq.s32 s28, $0x1  }
.Ltmp7:
0x9d: {  	_ = 	snop;
	(pc) =	sbr.rel @!p1 .LBB2_27-.Ltmp7, $4  }
0x9e: {  	_ = 	snop  }
0x9f: {  	s1 =	sadd.s32 $0x8, s1;
	s9 =	sadd.s32 $0x100, s9  }
0xa0: {  	s28 =	sadd.s32 $0xFFFFFFFF, s28  }
0xa1: {  	[tilespmem:s9], [sflag:$0x1] =	stream.indirect.gather [hbm4b:s6+s18], $0x40, s1, s18, $0xb8;
	[tilespmem:$0x1B3A0] =	vst v63  }
.LBB2_5:
0xa2: {  	s0 =	sadd.s32 $0x3, s0  }
0xa3: {  	s28 =	sshra.s32 s0, $0x2  }
0xa4: {  	p1 =	sgt.s32 s28, $0x0  }
.Ltmp8:
0xa5: {  	_ = 	snop;
	(pc) =	sbr.rel @!p1 .LBB2_8-.Ltmp8, $1  }
0xa6: {  	_ =	sdelay $0x3  }
0xa7: {  	p2 =	seq.s32 s28, $0x1  }
.Ltmp9:
0xa8: {  	_ = 	snop;
	(pc) =	sbr.rel @p2 .LBB2_8-.Ltmp9, $3  }
0xa9: {  	_ =	sdelay $0x1  }
0xaa: {  	s0 =	simm.s32 $0xFA0;
	s1 =	simm.s32 $0xEA60;
	s9 =	sadd.s32 $0xFFFFFFFF, s28  }
0xab: {  	[tilespmem:s1], [sflag:$0x1] =	stream.indirect.gather [hbm4b:s7+s18], $0x40, s0, s18, $0xb8;
	[tilespmem:$0x1B3A0] =	vst v63  }
.LBB2_7:
0xac: {  	p2 =	seq.s32 s9, $0x1  }
.Ltmp10:
0xad: {  	_ = 	snop;
	(pc) =	sbr.rel @!p2 .LBB2_7-.Ltmp10, $4  }
0xae: {  	_ = 	snop  }
0xaf: {  	s0 =	sadd.s32 $0x8, s0;
	s1 =	sadd.s32 $0x100, s1  }
0xb0: {  	s9 =	sadd.s32 $0xFFFFFFFF, s9  }
0xb1: {  	[tilespmem:s1], [sflag:$0x1] =	stream.indirect.gather [hbm4b:s7+s18], $0x40, s0, s18, $0xb8;
	[tilespmem:$0x1B3A0] =	vst v63  }
.LBB2_8:
.Ltmp11:
0xb2: {  	(pc) =	sbr.rel @!p0 .LBB2_9-.Ltmp11, $1  }
0xb3: {  	_ =	sdelay $0x3  }
0xb4: {  	p2 =	seq.s32 s25, $0x1  }
.Ltmp12:
0xb5: {  	_ = 	snop;
	(pc) =	sbr.rel @p2 .LBB2_30-.Ltmp12, $3  }
0xb6: {  	_ =	sdelay $0x1  }
0xb7: {  	_ =	swait.ge [sflag:s19], $0x100  }
0xb8: {  	s0 =	sadd.s32 $0xFFFFFFFF, s25;
	[sflag:s19] =	ssyncset.done $0x0  }
.LBB2_29:
0xb9: {  	p2 =	seq.s32 s0, $0x1;
	s0 =	sadd.s32 $0xFFFFFFFF, s0;
	[sflag:s19] =	ssyncadd.s32 $0xFFFFFF00  }
.Ltmp13:
0xba: {  	(pc) =	sbr.rel @!p2 .LBB2_29-.Ltmp13, $3  }
0xbb: {  	_ =	sdelay $0x1  }
0xbc: {  	_ =	swait.ge [sflag:s19], $0x100  }
0xbd: {  	[sflag:s19] =	ssyncset.done $0x0  }
.LBB2_30:
0xbe: {  	[sflag:s19] =	ssyncadd.s32 $0xFFFFFF00  }
.LBB2_9:
.Ltmp14:
0xbf: {  	(pc) =	sbr.rel @!p1 .LBB2_10-.Ltmp14, $1  }
0xc0: {  	_ =	sdelay $0x3  }
0xc1: {  	p2 =	seq.s32 s28, $0x1  }
.Ltmp15:
0xc2: {  	_ = 	snop;
	(pc) =	sbr.rel @p2 .LBB2_33-.Ltmp15, $3  }
0xc3: {  	_ =	sdelay $0x1  }
0xc4: {  	_ =	swait.ge [sflag:s19], $0x100  }
0xc5: {  	s0 =	sadd.s32 $0xFFFFFFFF, s28;
	[sflag:s19] =	ssyncset.done $0x0  }
.LBB2_32:
0xc6: {  	p2 =	seq.s32 s0, $0x1;
	s0 =	sadd.s32 $0xFFFFFFFF, s0;
	[sflag:s19] =	ssyncadd.s32 $0xFFFFFF00  }
.Ltmp16:
0xc7: {  	(pc) =	sbr.rel @!p2 .LBB2_32-.Ltmp16, $3  }
0xc8: {  	_ =	sdelay $0x1  }
0xc9: {  	_ =	swait.ge [sflag:s19], $0x100  }
0xca: {  	[sflag:s19] =	ssyncset.done $0x0  }
.LBB2_33:
0xcb: {  	[sflag:s19] =	ssyncadd.s32 $0xFFFFFF00  }
.LBB2_10:
.Ltmp17:
0xcc: {  	(pc) =	sbr.rel @!p0 .LBB2_13-.Ltmp17, $1  }
0xcd: {  	_ =	sdelay $0x3  }
0xce: {  	p2 =	seq.s32 s25, $0x1  }
.Ltmp18:
0xcf: {  	_ = 	snop;
	(pc) =	sbr.rel @p2 .LBB2_13-.Ltmp18, $3  }
0xd0: {  	_ =	sdelay $0x1  }
0xd1: {  	s0 =	simm.s32 $0x960;
	s1 =	simm.s32 $0x2260;
	s9 =	sadd.s32 $0xFFFFFFFF, s25  }
0xd2: {  	[hbm4b:s2+s18] =	stream.indirect.scatter [tilespmem:s1], [sflag:$0x2], $0x40, s0, s18, $0xb8;
	[tilespmem:$0x1B3A0] =	vst v63  }
.LBB2_12:
0xd3: {  	p2 =	seq.s32 s9, $0x1  }
.Ltmp19:
0xd4: {  	_ = 	snop;
	(pc) =	sbr.rel @!p2 .LBB2_12-.Ltmp19, $4  }
0xd5: {  	_ = 	snop  }
0xd6: {  	s0 =	sadd.s32 $0x8, s0;
	s1 =	sadd.s32 $0x100, s1  }
0xd7: {  	s9 =	sadd.s32 $0xFFFFFFFF, s9  }
0xd8: {  	[hbm4b:s2+s18] =	stream.indirect.scatter [tilespmem:s1], [sflag:$0x2], $0x40, s0, s18, $0xb8;
	[tilespmem:$0x1B3A0] =	vst v63  }
.LBB2_13:
.Ltmp20:
0xd9: {  	(pc) =	sbr.rel @!p1 .LBB2_16-.Ltmp20, $1  }
0xda: {  	_ =	sdelay $0x3  }
0xdb: {  	p2 =	seq.s32 s28, $0x1  }
.Ltmp21:
0xdc: {  	_ = 	snop;
	(pc) =	sbr.rel @p2 .LBB2_16-.Ltmp21, $3  }
0xdd: {  	_ =	sdelay $0x1  }
0xde: {  	s0 =	simm.s32 $0x15E0;
	s1 =	simm.s32 $0xEA60;
	s9 =	sadd.s32 $0xFFFFFFFF, s28  }
0xdf: {  	[hbm4b:s2+s18] =	stream.indirect.scatter [tilespmem:s1], [sflag:$0x2], $0x40, s0, s18, $0xb8;
	[tilespmem:$0x1B3A0] =	vst v63  }
.LBB2_15:
0xe0: {  	p2 =	seq.s32 s9, $0x1  }
.Ltmp22:
0xe1: {  	_ = 	snop;
	(pc) =	sbr.rel @!p2 .LBB2_15-.Ltmp22, $4  }
0xe2: {  	_ = 	snop  }
0xe3: {  	s0 =	sadd.s32 $0x8, s0;
	s1 =	sadd.s32 $0x100, s1  }
0xe4: {  	s9 =	sadd.s32 $0xFFFFFFFF, s9  }
0xe5: {  	[hbm4b:s2+s18] =	stream.indirect.scatter [tilespmem:s1], [sflag:$0x2], $0x40, s0, s18, $0xb8;
	[tilespmem:$0x1B3A0] =	vst v63  }
.LBB2_16:
0xe6: {  	s0 =	sadd.s32 $0x3, s26  }
0xe7: {  	s0 =	sshra.s32 s0, $0x2  }
0xe8: {  	p2 =	sgt.s32 s0, $0x0  }
.Ltmp23:
0xe9: {  	_ = 	snop;
	(pc) =	sbr.rel @!p2 .LBB2_17-.Ltmp23, $2  }
0xea: {  	_ =	sdelay $0x2  }
0xeb: {  	s1 =	simm.s32 $0x1C20  }
0xec: {  	p3 =	seq.s32 s0, $0x1  }
.Ltmp24:
0xed: {  	_ = 	snop;
	(pc) =	sbr.rel @p3 .LBB2_17-.Ltmp24, $3  }
0xee: {  	_ =	sdelay $0x1  }
0xef: {  	[hbm4b:s2+s18] =	stream.indirect.scatter [tilespmem:s20], [sflag:$0x2], $0x40, s1, s18, $0xb8;
	[tilespmem:$0x1B3A0] =	vst v63  }
0xf0: {  	s9 =	sadd.s32 $0xFFFFFFFF, s0  }
.LBB2_35:
0xf1: {  	p3 =	seq.s32 s9, $0x1  }
.Ltmp25:
0xf2: {  	_ = 	snop;
	(pc) =	sbr.rel @!p3 .LBB2_35-.Ltmp25, $3  }
0xf3: {  	_ = 	snop  }
0xf4: {  	s9 =	sadd.s32 $0xFFFFFFFF, s9;
	s1 =	sadd.s32 $0x8, s1;
	_ =	sdelay $0x1  }
0xf5: {  	[hbm4b:s2+s18] =	stream.indirect.scatter [tilespmem:s20], [sflag:$0x2], $0x40, s1, s18, $0xb8;
	[tilespmem:$0x1B3A0] =	vst v63  }
.LBB2_17:
.Ltmp26:
0xf6: {  	(pc) =	sbr.rel @!p0 .LBB2_18-.Ltmp26, $1  }
0xf7: {  	_ =	sdelay $0x3  }
0xf8: {  	p0 =	seq.s32 s25, $0x1  }
.Ltmp27:
0xf9: {  	_ = 	snop;
	(pc) =	sbr.rel @p0 .LBB2_38-.Ltmp27, $3  }
0xfa: {  	_ =	sdelay $0x1  }
0xfb: {  	_ =	swait.ge [sflag:s21], $0x100  }
0xfc: {  	s1 =	sadd.s32 $0xFFFFFFFF, s25;
	[sflag:s21] =	ssyncset.done $0x0  }
.LBB2_37:
0xfd: {  	p0 =	seq.s32 s1, $0x1;
	s1 =	sadd.s32 $0xFFFFFFFF, s1;
	[sflag:s21] =	ssyncadd.s32 $0xFFFFFF00  }
.Ltmp28:
0xfe: {  	(pc) =	sbr.rel @!p0 .LBB2_37-.Ltmp28, $3  }
0xff: {  	_ =	sdelay $0x1  }
0x100: {  	_ =	swait.ge [sflag:s21], $0x100  }
0x101: {  	[sflag:s21] =	ssyncset.done $0x0  }
.LBB2_38:
0x102: {  	[sflag:s21] =	ssyncadd.s32 $0xFFFFFF00  }
.LBB2_18:
.Ltmp29:
0x103: {  	(pc) =	sbr.rel @!p1 .LBB2_19-.Ltmp29, $1  }
0x104: {  	_ =	sdelay $0x3  }
0x105: {  	p0 =	seq.s32 s28, $0x1  }
.Ltmp30:
0x106: {  	_ = 	snop;
	(pc) =	sbr.rel @p0 .LBB2_41-.Ltmp30, $3  }
0x107: {  	_ =	sdelay $0x1  }
0x108: {  	_ =	swait.ge [sflag:s21], $0x100  }
0x109: {  	s1 =	sadd.s32 $0xFFFFFFFF, s28;
	[sflag:s21] =	ssyncset.done $0x0  }
.LBB2_40:
0x10a: {  	p0 =	seq.s32 s1, $0x1;
	s1 =	sadd.s32 $0xFFFFFFFF, s1;
	[sflag:s21] =	ssyncadd.s32 $0xFFFFFF00  }
.Ltmp31:
0x10b: {  	(pc) =	sbr.rel @!p0 .LBB2_40-.Ltmp31, $3  }
0x10c: {  	_ =	sdelay $0x1  }
0x10d: {  	_ =	swait.ge [sflag:s21], $0x100  }
0x10e: {  	[sflag:s21] =	ssyncset.done $0x0  }
.LBB2_41:
0x10f: {  	[sflag:s21] =	ssyncadd.s32 $0xFFFFFF00  }
.LBB2_19:
.Ltmp32:
0x110: {  	(pc) =	sbr.rel @!p2 .LBB2_23-.Ltmp32, $1  }
0x111: {  	_ =	sdelay $0x3  }
0x112: {  	p0 =	sne.s32 s0, $0x1  }
.Ltmp33:
0x113: {  	_ = 	snop;
	(pc) =	sbr.rel @!p0 .LBB2_22-.Ltmp33, $3  }
0x114: {  	_ =	sdelay $0x1  }
0x115: {  	_ =	swait.ge [sflag:s21], $0x100  }
0x116: {  	s0 =	sadd.s32 $0xFFFFFFFF, s0;
	[sflag:s21] =	ssyncset.done $0x0  }
.LBB2_21:
0x117: {  	p0 =	sne.s32 s0, $0x1;
	s0 =	sadd.s32 $0xFFFFFFFF, s0;
	[sflag:s21] =	ssyncadd.s32 $0xFFFFFF00  }
.Ltmp34:
0x118: {  	(pc) =	sbr.rel @p0 .LBB2_21-.Ltmp34, $3  }
0x119: {  	_ =	sdelay $0x1  }
0x11a: {  	_ =	swait.ge [sflag:s21], $0x100  }
0x11b: {  	[sflag:s21] =	ssyncset.done $0x0  }
.Ltmp35:
0x11c: {  	_ = 	snop;
	(pc) =	sbr.rel .LBB2_22-.Ltmp35, $1  }
0x11d: {  	_ =	sdelay $0x3  }
.LBB2_24:
0x11e: {  	s9 =	simm.s32 $0x0  }
0x11f: {  	[tilespmem:s9], [sflag:$0x3] =	stream.linear.gather [hbm4b:s8+s9], $0x10, $0x38;
	[tilespmem:$0x1B3A0] =	vst v63  }
0x120: {  	_ =	swait.ge [sflag:s12], $0x10  }
0x121: {  	[sflag:s12] =	ssyncset.done $0x0  }
0x122: {  	[sflag:s12] =	ssyncadd.s32 $0xFFFFFFF0  }
0x123: {  	v3 =	vld [tilespmem:$0x0];
	_ =	sdelay $0x4  }
0x124: {  	(v2sf) =	vpush v3, $0x0;
	_ =	sdelay $0xe  }
0x125: {  	s0 =	spop (v2sf)  }
0x126: {  	p0 =	seq.s32 s0, $0x0  }
.Ltmp36:
0x127: {  	_ = 	snop;
	(pc) =	sbr.rel @p0 .LBB2_25-.Ltmp36, $1  }
0x128: {  	_ =	sdelay $0x3  }
0x129: {  	p0 =	slt.u32 s0, $0x7A121  }
0x12a: {  	p1 =	slt.s32 @!p0 s0, $0x7A121  }
0x12b: {  	p1 =	por p0, !p1  }
.Ltmp37:
0x12c: {  	_ = 	snop;
	(pc) =	sbr.rel @!p1 .LBB2_45-.Ltmp37, $1  }
0x12d: {  	_ =	sdelay $0x3  }
0x12e: {  	s1 =	simm.s32 @!p0 $0xFE17B7C0  }
0x12f: {  	s0 =	sshll.u32 s0, $0x6;
	s1 =	simm.s32 @p0 $0xFFFFFFC0  }
0x130: {  	s3 =	smov.u32 s7;
	s0 =	sadd.s32 s1, s0  }
0x131: {  	s3 =	smov.u32 @p0 s6;
	s0 =	sshrl.u32 s0, $0x3  }
.Ltmp38:
0x132: {  	s31 =	sadd.s32 s3, s0;
	s0 =	simm.s32 $0x1B360;
	(pc) =	sbr.rel .LBB2_44-.Ltmp38, $4  }
0x133: {  	[tilespmem:s0], [sflag:$0x3] =	stream.linear.gather [hbm4b:s31+s9], $0x40, $0x38;
	[tilespmem:$0x1B3A0] =	vst v63  }
0x134: {  	_ =	swait.ge [sflag:s12], $0x40  }
0x135: {  	[sflag:s12] =	ssyncset.done $0x0  }
0x136: {  	[sflag:s12] =	ssyncadd.s32 $0xFFFFFFC0  }
.LBB2_46:
0x137: {  	_ =	sfence.sel $0x180000  }
0x138: {  	[bflag:$0x0] =	sbarrier.arrive $0xFFFF  }
0x139: {  	_ =	strace $0x90000047  }
0x13a: {  	s0 =	stileid.u32;
	[bflag:$0x2] =	sbarrier.arrive $0xFFFF  }
0x13b: {  	p0 =	sne.s32 s0, $0x0;
	s0 =	rddreg [dreg:$0x2]  }
0x13c: {  	s0 =	sadd.s32 @!p0 $0x100000, s0  }
0x13d: {  	[sflag:s0] =	ssyncadd.tile.s32 @!p0 $0x1;
	_ =	shalt  }
.Lfunc_end2:
_tile_overlayer_lowered:
.L_overlay_start_2:
0x13e: {  	(tag) =	ssettag $0x2  }
0x13f: {  	s0 =	rddreg [dreg:$0x0];
	s2 =	stileid.u32  }
0x140: {  	s1 =	rddreg [dreg:$0x1];
	p0 =	sne.s32 s2, $0x0  }
0x141: {  	s3 =	rddreg [dreg:$0x2];
	[bflag:$0x3] =	sbarrier.arrive $0xFFFF;
	s2 =	simm.s32 @!p0 $0x1C03  }
0x142: {  	[timem:s3], [sflag:s2] =	dma.local @!p0 [hbm:s0], s1  }
0x143: {  	s0 =	simm.s32 @!p0 $0x3  }
0x144: {  	_ =	swait.ge @!p0 [sflag:s0], s1  }
0x145: {  	s1 =	ssub.s32 @!p0 $0x0, s1;
	[sflag:s0] =	ssyncset.done @!p0 $0x0  }
0x146: {  	[sflag:s0] =	ssyncadd.s32 @!p0 s1  }
0x147: {  	[bflag:$0x3] =	sbarrier.arrive $0xFFFF  }
0x148: {  	_ =	shalt  }

// kernel: sparse-core-data-format-call.cloned.1.call-start
scs
called_computation_lowered:
.L_overlay_start_0:
0x0: {  	s2 =	sld [smem:$0x3FD9]  }
0x1: {  	s3 =	sld [smem:$0x3FFE];
	_ =	sdelay $0x1  }
0x2: {  	s1 =	srdreg.scid  }
0x3: {  	s0 =	sand.u32 $0x1, s1  }
0x4: {  	s18 =	sshll.u32 s0, $0xA;
	s2 =	sadd.s32 s3, s2  }
0x5: {  	s2 =	sadd.s32 s2, s18  }
0x6: {  	[smem:$0x3FC5] =	sst s2  }
0x7: {  	_ = 	snop  }
0x8: {  	s2 =	sld [smem:$0x3FD0];
	(tm) =	ssettm $0x1  }
0x9: {  	s19 =	sld [smem:$0x3FFB];
	_ =	sdelay $0x3  }
0xa: {  	_ =	strace s19  }
0xb: {  	s3 =	sld [smem:$0x3FFC];
	_ =	sdelay $0x3  }
0xc: {  	_ =	strace s3  }
0xd: {  	s3 =	sld [smem:$0x3FFD];
	_ =	sdelay $0x3  }
0xe: {  	_ =	strace s3  }
0xf: {  	_ =	strace $0x8FFFFFFF  }
0x10: {  	s20 =	sld [smem:$0x3FDB];
	_ =	sdelay $0x1  }
0x11: {  	s4 =	simm.s32 $_scs_section_size  }
0x12: {  	s5 =	simm.s32 $_size__tile_overlayer_lowered;
	s6 =	simm.s32 $_tile_overlayer_lowered  }
0x13: {  	s23 =	simm.s32 $0x1BFF;
	s22 =	sshll.u32 s6, $0x1;
	s3 =	sadd.s32 s4, s20  }
0x14: {  	s7 =	simm.s32 $0x0;
	s21 =	sshll.u32 s5, $0x1;
	s5 =	sadd.s32 s22, s3  }
0x15: {  	[timem:s7], [sflag:s23] =	dma.local [hbm:s5], s21  }
0x16: {  	_ =	swait.ge [sflag:s23], s21  }
0x17: {  	s4 =	ssub.s32 $0x0, s21;
	[sflag:s23] =	ssyncset.done $0x0  }
0x18: {  	[sflag:s23] =	ssyncadd.s32 s4;
	_ =	sdelay $0x1  }
0x19: {  	s24 =	simm.s32 $0x1B8B  }
0x1a: {  	_ =	swait.ge [sflag:s24], $0x1  }
0x1b: {  	[sflag:s24] =	ssyncset.done $0x0  }
0x1c: {  	s26 =	simm.s32 $0x1B8E;
	s25 =	sld [smem:$0x3FFE];
	[sflag:s24] =	ssyncadd.s32 $0xFFFFFFFF  }
0x1d: {  	s27 =	simm.s32 $execute0_lowered;
	[smem:$0x3FD2] =	sst s26  }
0x1e: {  	s5 =	sshll.u32 s27, $0x1;
	_ =	strace $0x80000049;
	[dreg:$0x1] =	wrdreg $0xFFFFFFFF  }
0x1f: {  	s28 =	simm.s32 $_size_execute0_lowered;
	s3 =	sadd.s32 s3, s5;
	[dreg:$0x0] =	wrdreg $0x0  }
0x20: {  	s5 =	sshll.u32 s28, $0x1;
	[dreg:$0x2] =	wrdreg s3  }
0x21: {  	[dreg:$0x3] =	wrdreg s5  }
0x22: {  	[dreg:$0x4] =	wrdreg $0xC0  }
0x23: {  	_ =	task [dreg:s7], $0x5FFFF  }
0x24: {  	[dreg:$0x1] =	wrdreg $0xFFFFFFFF  }
0x25: {  	[dreg:$0x0] =	wrdreg $0x60  }
0x26: {  	[dreg:$0x2] =	wrdreg s25  }
0x27: {  	[dreg:$0x3] =	wrdreg s2  }
0x28: {  	[dreg:$0x4] =	wrdreg $0x9  }
0x29: {  	_ =	task.clear_ibuf [dreg:s7], $0x5FFFF;
	_ =	strace $0x90000049  }
0x2a: {  	s29 =	simm.s32 $0x9;
	_ =	strace $0x8000004B  }
0x2b: {  	_ =	swait.ge [sflag:s29], $0x1  }
0x2c: {  	[sflag:s29] =	ssyncadd.s32 $0xFFFFFFFF  }
0x2d: {  	_ =	strace $0x9000004B  }
0x2e: {  	_ =	sfence  }
0x2f: {  	s30 =	sld [smem:$0x0];
	_ =	sdelay $0x2  }
0x30: {  	s31 =	sshll.u32 s1, $0xD;
	s1 =	sshrl.u32 s1, $0x2  }
0x31: {  	s3 =	sand.u32 $0x4000, s31;
	s1 =	sadd.s32 s1, s30  }
0x32: {  	s0 =	sor.u32 s3, s0;
	s1 =	sshll.u32 s1, $0x11  }
0x33: {  	s0 =	sor.u32 s1, s0  }
0x34: {  	s0 =	sadd.s32 $0x8F2B, s0  }
0x35: {  	[sflag:s0] =	ssyncadd.remote.s32 $0x1  }
0x36: {  	_ =	sfence.sel $0xFFFF  }
0x37: {  	[dreg:$0x0] =	wrdreg $0xFFFFFFFF;
	(pc) =	sbr.abs _section_cstart, $3  }
0x38: {  	[dreg:$0x1] =	wrdreg $0xFFFFFFFF  }
0x39: {  	_ =	task.clear_ibuf [dreg:s7], $0x2FFFF;
	_ =	strace $0x9FFFFFFF  }
0x3a: {  	(tm) =	ssettm $0x7FFFFFFF  }
0x3b: {  	_ =	shalt  }
tec
execute0_lowered:
.L_overlay_start_1:
0x0: {  	(tag) =	ssettag $0x1  }
0x1: {  	s0 =	srdreg.scid  }
0x2: {  	s1 =	sshll.u32 s0, $0x4  }
0x3: {  	s0 =	stileid.u32;
	s1 =	sand.u32 $0x10, s1  }
0x4: {  	s1 =	sor.u32 s0, s1  }
0x5: {  	s6 =	rddreg [dreg:$0x0];
	s4 =	simm.s32 $0x1;
	s2 =	sshll.u32 s1, $0x7  }
0x6: {  	s7 =	simm.s32 $0x2;
	s12 =	simm.s32 $0x0;
	s1 =	ssub.s32 $0x4000, s2  }
0x7: {  	s8 =	simm.s32 $0x20000;
	s13 =	simm.s32 $0x0;
	s3 =	sand.u32 $0xF80, s1  }
0x8: {  	s9 =	simm.s32 $0x0;
	s5 =	sshrl.u32 s1, $0xC;
	p0 =	sne.s32 s3, $0x0  }
.Ltmp0:
0x9: {  	s1 =	rddreg [dreg:$0x2];
	s4 =	simm.s32 @!p0 $0x0;
	(pc) =	sbr.rel .LBB1_1-.Ltmp0, $4  }
0xa: {  	s11 =	simm.s32 $0x0;
	s3 =	rddreg [dreg:$0x1];
	s5 =	sadd.s32 s4, s5  }
0xb: {  	_ =	strace $0x8000004A;
	s4 =	simm.s32 $0x1;
	s5 =	smul.u32 $0x32, s5  }
0xc: {  	s6 =	sadd.s32 $0x800, s6;
	s10 =	smov.u32 s2;
	[sflag:s4] =	ssyncpa.u1 $0x0  }
0xd: {  	p0 =	por $0x0, $0x0;
	[sflag:s7] =	ssyncpa.u1 $0x0;
	s7 =	sor.u32 $0x1, s5  }
.LBB1_4:
0xe: {  	s16 =	sshll.u32 s13, $0x3;
	s17 =	sand.u32 $0x78, s13  }
0xf: {  	s30 =	sand.u32 $0x1F800, s13;
	s12 =	sshll.u32 s12, $0x11;
	s16 =	sand.u32 $0x3C00, s16  }
0x10: {  	[tilespmem:s15+$0x810 ss:$0x81] =	vst.msk $0xffff, v2;
	s31 =	sand.u32 $0x7, s13;
	s16 =	sor.u32 s17, s16;
	s17 =	sadd.s32 s3, s30  }
0x11: {  	[tilespmem:s15+$0x1020 ss:$0x81] =	vst.msk $0xffff, v0;
	s13 =	sshll.u32 s31, $0x12;
	s12 =	sadd.s32 s12, s17;
	s16 =	sshrl.u32 s16, $0x3  }
0x12: {  	[tilespmem:s15+$0x0 ss:$0x81] =	vst.msk $0xffff, v1;
	s13 =	sor.u32 $0x400, s13;
	s12 =	sadd.s32 s16, s12  }
0x13: {  	[hbm4b:s12+s13] =	stream.strided.scatter [tilespmem:s14], [sflag:$0x2], $0x2000, s8, s13, $0x20;
	[tilespmem:$0x8080] =	vst v63  }
.LBB1_5:
0x14: {  	s14 =	sadd.s32 $0x1, s9  }
0x15: {  	s12 =	sadd.s32 $0x1000, s10;
	s16 =	smov.u32 s10;
	p2 =	sgt.s32 s14, $0x31  }
0x16: {  	s16 =	smov.u32 @p2 s12  }
0x17: {  	s14 =	simm.s32 @p2 $0x0;
	p2 =	sgt.s32 s16, $0x3FFF  }
0x18: {  	s16 =	smov.u32 @p2 s2;
	p2 =	sne.s32 s11, s7  }
.Ltmp1:
0x19: {  	p1 =	slt.u32 s11, $0x2;
	(pc) =	sbr.rel @!p2 .LBB1_6-.Ltmp1, $4  }
0x1a: {  	s15 =	simm.s32 @!p1 $0x2  }
0x1b: {  	s13 =	smov.u32 s10;
	p0 =	por !p0, !p0;
	_ =	swait.ge @!p1 [sflag:s15], $0x2000  }
0x1c: {  	s12 =	smov.u32 s9;
	[sflag:s15] =	ssyncset.done @!p1 $0x0;
	s9 =	smov.u32 s14  }
0x1d: {  	s11 =	sadd.s32 $0x1, s11;
	[sflag:s15] =	ssyncadd.s32 @!p1 $0xFFFFE000;
	s10 =	smov.u32 s16  }
.LBB1_1:
0x1e: {  	p1 =	sge.u32 s11, s5  }
0x1f: {  	s14 =	sand.u32 @!p1 $0x1FFFFFF, s9  }
0x20: {  	s15 =	smulhi.u32 @!p1 $0x4924925, s14;
	_ =	sdelay $0x1  }
0x21: {  	s15 =	smul.u32 @!p1 $0x38, s15  }
0x22: {  	s16 =	sxor.u32 @!p1 $0xFFFFFFFF, s11;
	s17 =	smul.u32 @!p1 $0x380, s10  }
0x23: {  	s31 =	sadd.s32 $0xFFFFFFFF, s11;
	s16 =	sshll.u32 @!p1 s16, $0xD;
	s14 =	ssub.s32 @!p1 s14, s15  }
0x24: {  	s15 =	sand.u32 @!p1 $0x2000, s16;
	s16 =	sadd.s32 @!p1 s6, s17;
	s14 =	sshll.u32 @!p1 s14, $0x4  }
0x25: {  	s17 =	simm.s32 @!p1 $0x1C00;
	s14 =	sadd.s32 @!p1 s14, s16;
	s16 =	simm.s32 @!p1 $0x40  }
0x26: {  	[tilespmem:s15], [sflag:$0x1] =	stream.strided.gather @!p1 [hbm4b:s14+s16], $0x2000, s17, s16, $0x38;
	[tilespmem:$0x8080] =	vst v63  }
0x27: {  	p1 =	sge.u32 s31, s5  }
.Ltmp2:
0x28: {  	_ = 	snop;
	(pc) =	sbr.rel @p1 .LBB1_5-.Ltmp2, $1  }
0x29: {  	_ =	sdelay $0x3  }
0x2a: {  	s14 =	simm.s32 $0x1  }
0x2b: {  	_ =	swait.ge [sflag:s4], $0x2000;
	s14 =	simm.s32 @!p0 $0x0  }
0x2c: {  	[sflag:s4] =	ssyncset.done $0x0;
	s15 =	sshll.u32 s14, $0xD  }
0x2d: {  	[sflag:s4] =	ssyncadd.s32 $0xFFFFE000;
	s18 =	sor.u32 $0x20, s15  }
0x2e: {  	s14 =	smul.u32 $0x8100, s14;
	v3 =	vld [tilespmem:s18+$0x10]  }
0x2f: {  	s30 =	sand.u32 $0x1, s11;
	v2 =	vld [tilespmem:s18+$0xFFFFFFF0]  }
0x30: {  	s15 =	smul.u32 $0x8100, s30;
	s14 =	sshrl.u32 s14, $0x2;
	v0 =	vld [tilespmem:s18+$0x0]  }
0x31: {  	v1 =	vld [tilespmem:s18+$0xFFFFFFE0];
	s16 =	sor.u32 $0x4000, s14  }
0x32: {  	s31 =	sshrl.u32 s15, $0x2;
	s15 =	sadd.s32 $0x0, s16  }
0x33: {  	s17 =	simm.s32 $0x4;
	s18 =	sadd.s32 $0x40, s18;
	s14 =	sor.u32 $0x4000, s31;
	[tilespmem:s15+$0x1830 ss:$0x81] =	vst.msk $0xffff, v3  }
.LBB1_3:
0x34: {  	v3 =	vld [tilespmem:s18+$0x10];
	p1 =	sne.s32 s17, $0x1FC;
	[tilespmem:s15+$0x810 ss:$0x81] =	vst.msk $0xffff, v2;
	s19 =	smov.u32 s17;
	s17 =	sadd.s32 $0x4, s17  }
.Ltmp3:
0x35: {  	v2 =	vld [tilespmem:s18+$0xFFFFFFF0];
	[tilespmem:s15+$0x1020 ss:$0x81] =	vst.msk $0xffff, v0;
	(pc) =	sbr.rel @p1 .LBB1_3-.Ltmp3, $4  }
0x36: {  	v0 =	vld [tilespmem:s18+$0x0];
	[tilespmem:s15+$0x0 ss:$0x81] =	vst.msk $0xffff, v1  }
0x37: {  	s15 =	sshra.s32 s19, $0x2;
	v1 =	vld [tilespmem:s18+$0xFFFFFFE0]  }
0x38: {  	s15 =	sadd.s32 s15, s16  }
0x39: {  	s18 =	sadd.s32 $0x40, s18;
	[tilespmem:s15+$0x1830 ss:$0x81] =	vst.msk $0xffff, v3  }
.Ltmp4:
0x3a: {  	_ = 	snop;
	(pc) =	sbr.rel .LBB1_4-.Ltmp4, $1  }
0x3b: {  	_ =	sdelay $0x3  }
.LBB1_6:
0x3c: {  	_ =	sfence.sel $0x180000  }
0x3d: {  	s2 =	simm.s32 $0x1;
	[bflag:$0x0] =	sbarrier.arrive $0xFFFF  }
0x3e: {  	s31 =	simm.s32 $0x2;
	[sflag:s2] =	ssyncpa.u1 $0x1  }
0x3f: {  	[sflag:s31] =	ssyncpa.u1 $0x1  }
0x40: {  	p0 =	sne.s32 s0, $0x0;
	_ =	strace $0x9000004A  }
0x41: {  	s0 =	sadd.s32 @!p0 $0x100000, s1;
	[bflag:$0x2] =	sbarrier.arrive $0xFFFF  }
0x42: {  	[sflag:s0] =	ssyncadd.tile.s32 @!p0 $0x1;
	_ =	shalt  }
.Lfunc_end1:
_tile_overlayer_lowered:
.L_overlay_start_2:
0x43: {  	(tag) =	ssettag $0x2  }
0x44: {  	s0 =	rddreg [dreg:$0x0];
	s2 =	stileid.u32  }
0x45: {  	s1 =	rddreg [dreg:$0x1];
	p0 =	sne.s32 s2, $0x0  }
0x46: {  	s3 =	rddreg [dreg:$0x2];
	[bflag:$0x3] =	sbarrier.arrive $0xFFFF;
	s2 =	simm.s32 @!p0 $0x1C01  }
0x47: {  	[timem:s3], [sflag:s2] =	dma.local @!p0 [hbm:s0], s1  }
0x48: {  	s0 =	simm.s32 @!p0 $0x1  }
0x49: {  	_ =	swait.ge @!p0 [sflag:s0], s1  }
0x4a: {  	s1 =	ssub.s32 @!p0 $0x0, s1;
	[sflag:s0] =	ssyncset.done @!p0 $0x0  }
0x4b: {  	[sflag:s0] =	ssyncadd.s32 @!p0 s1  }
0x4c: {  	[bflag:$0x3] =	sbarrier.arrive $0xFFFF  }
0x4d: {  	_ =	shalt  }

</sc_bundles>
